<compile_context>
chip_gen: v7x
topology: tpu7x:2x2x1
jax: 0.10.2.dev20260603
libtpu: 0.0.44.dev20260713+nightly
codegen_flags: <defaults>
</compile_context>

<pallas_src>
import functools

import jax
import jax.numpy as jnp
from jax import lax
from jax.experimental import pallas as pl
from jax.experimental.pallas import tpu as pltpu
from jax.experimental.pallas import tpu_sc as plsc


def _project_body(table_ref, w_ref, b_ref, out_ref):
    out_ref[...] = (
        jnp.dot(table_ref[...], w_ref[...], preferred_element_type=jnp.float32)
        + b_ref[...]
    )


def _project(table, W, b):
    V, _ = table.shape
    MD = W.shape[1]
    return pl.pallas_call(
        _project_body,
        out_shape=jax.ShapeDtypeStruct((V, MD), jnp.float32),
    )(table, W, b.reshape(1, MD))


@functools.lru_cache(maxsize=None)
def _make_gather(V, MD, N):
    NC, NS = 2, 16
    NW = NC * NS
    assert N % NW == 0
    b_per_w = N // NW
    C = 40
    assert b_per_w % (2 * C) == 0 and C % 8 == 0
    n_chunks = b_per_w // C
    mesh = plsc.VectorSubcoreMesh(core_axis_name="c", subcore_axis_name="s")

    @functools.partial(
        pl.kernel,
        out_type=jax.ShapeDtypeStruct((N, MD), jnp.float32),
        mesh=mesh,
        scratch_types=[
            pltpu.VMEM((b_per_w,), jnp.int32),
            pltpu.VMEM((2, C, MD), jnp.float32),
            pltpu.SemaphoreType.DMA,
            pltpu.SemaphoreType.DMA,
            pltpu.SemaphoreType.DMA,
            pltpu.SemaphoreType.DMA,
        ],
    )
    def gather(p_hbm, idx_hbm, out_hbm, idx_v, rows_v,
               sem_g0, sem_g1, sem_s0, sem_s1):
        cid = lax.axis_index("c")
        sid = lax.axis_index("s")
        wid = sid * NC + cid
        base = wid * b_per_w

        pltpu.sync_copy(idx_hbm.at[pl.ds(base, b_per_w)], idx_v)

        sems_g = (sem_g0, sem_g1)
        sems_s = (sem_s0, sem_s1)

        def start_g(i, buf):
            pltpu.async_copy(
                p_hbm.at[idx_v.at[pl.ds(i * C, C)]],
                rows_v.at[buf],
                sems_g[buf],
            )

        def wait_g(buf):
            pltpu.make_async_copy(
                p_hbm.at[pl.ds(0, C)], rows_v.at[buf], sems_g[buf]
            ).wait()

        def start_s(i, buf):
            pltpu.async_copy(
                rows_v.at[buf],
                out_hbm.at[pl.ds(base + i * C, C)],
                sems_s[buf],
            )

        def wait_s(buf):
            pltpu.make_async_copy(
                rows_v.at[buf], out_hbm.at[pl.ds(0, C)], sems_s[buf]
            ).wait()

        start_g(0, 0)
        wait_g(0)
        start_g(1, 1)
        start_s(0, 0)

        def body(j, carry):
            i = 2 * j + 1
            wait_g(1)
            wait_s(0)
            start_g(i + 1, 0)
            start_s(i, 1)
            wait_g(0)
            wait_s(1)
            start_g(i + 2, 1)
            start_s(i + 1, 0)
            return carry

        lax.fori_loop(0, n_chunks // 2 - 1, body, 0)

        wait_g(1)
        wait_s(0)
        start_s(n_chunks - 1, 1)
        wait_s(1)

    return gather


def kernel(x, table, W, b):
    B, L = x.shape
    V, D = table.shape
    MD = W.shape[1]
    P = _project(table, W, b)
    x_flat = x.reshape(-1).astype(jnp.int32)
    out = _make_gather(V, MD, B * L)(P, x_flat)
    return out.reshape(B, L, MD)

# --- scband reference (transcript-rebuilt; emitter-appended) ---
"""Pipeline reference for scband-combine-pre-trained-embs-54357106098594 (READ-ONLY COPY).

The authoritative reference and input builder live on the scoring server;
editing this copy changes nothing except your own understanding.
"""

import jax, jax.numpy as jnp
import numpy as np

VOCAB = 1000
D = 128
M = 8
B = 4096
L = 50


def setup_inputs(seed: int = 0) -> dict:
    key = jax.random.key(seed)
    k1, k2, k3, k4 = jax.random.split(key, 4)
    x = jax.random.randint(k1, (B, L), 0, VOCAB)
    # Embedding table initialized uniform(-2, 2) as in the torch module
    table = jax.random.uniform(k2, (VOCAB, D), dtype=jnp.float32, minval=-2.0, maxval=2.0)
    # Linear layer params (jax convention: y = x @ W + b), W: [D, M*D]
    bound = 1.0 / np.sqrt(D)
    W = jax.random.uniform(k3, (D, M * D), dtype=jnp.float32, minval=-bound, maxval=bound)
    b = jax.random.uniform(k4, (M * D,), dtype=jnp.float32, minval=-bound, maxval=bound)
    return {"x": x, "table": table, "W": W, "b": b}


def reference(x, table, W, b):
    # combined = self.combined(x): embedding gather
    combined = jnp.take(table, x, axis=0)  # [B, L, D]
    # original_refined = self.fc(combined)
    original_refined = combined @ W + b  # [B, L, M*D]
    return original_refined

if __name__ == "__main__":
    import jax
    _d = setup_inputs()
    print(jax.jit(kernel)(*tuple(_d.values())))

</pallas_src>

<mosaic_0001>
#map = affine_map<(d0, d1) -> (0, 0)>
#map1 = affine_map<(d0, d1) -> (0)>
module attributes {stable_mosaic.version = 14 : i64} {
  func.func @gather(%arg0: i32, %arg1: i32, %arg2: memref<1000x1024xf32, #tpu.memory_space<hbm>>, %arg3: memref<204800xi32, #tpu.memory_space<hbm>>, %arg4: memref<204800x1024xf32, #tpu.memory_space<hbm>>, %arg5: memref<6400xi32, #tpu.memory_space<vmem>>, %arg6: memref<2x40x1024xf32, #tpu.memory_space<vmem>>, %arg7: memref<!tpu.dma_semaphore, #tpu.memory_space<semaphore_mem>>, %arg8: memref<!tpu.dma_semaphore, #tpu.memory_space<semaphore_mem>>, %arg9: memref<!tpu.dma_semaphore, #tpu.memory_space<semaphore_mem>>, %arg10: memref<!tpu.dma_semaphore, #tpu.memory_space<semaphore_mem>>) attributes {dimension_semantics = [#tpu.dimension_semantics<core_parallel>, #tpu.dimension_semantics<subcore_parallel>], iteration_bounds = array<i64: 2, 16>, scalar_prefetch = 0 : i64, scratch_operands = 6 : i64, tpu.core_type = #tpu.core_type<sc_vector_subcore>, window_params = [{transform_indices = #map}, {transform_indices = #map1}, {transform_indices = #map}]} {
    %mul3A = arith.constant 2 : i32
    %mul3A_0 = arith.muli %arg1, %mul3A : i32
    %add3A = arith.addi %mul3A_0, %arg0 : i32
    %mul3A_1 = arith.constant 6400 : i32
    %mul3A_2 = arith.muli %add3A, %mul3A_1 : i32
    "tpu.region"() ({
      %run_scoped3A = tpu.sem_alloc : memref<!tpu.dma_semaphore, #tpu.memory_space<semaphore_mem>>
      %dma_start3A_116 = tpu.memref_slice %arg3[%mul3A_2] : memref<204800xi32, #tpu.memory_space<hbm>> -> memref<6400xi32, #tpu.memory_space<hbm>>
      %dma_start3A_117 = tpu.memref_slice %arg3[%mul3A_2] : memref<204800xi32, #tpu.memory_space<hbm>> -> memref<6400xi32, #tpu.memory_space<hbm>>
      tpu.enqueue_dma source(%dma_start3A_117 : memref<6400xi32, #tpu.memory_space<hbm>>) target(%arg5 : memref<6400xi32, #tpu.memory_space<vmem>>) target_semaphore(%run_scoped3A : memref<!tpu.dma_semaphore, #tpu.memory_space<semaphore_mem>>)
      %dma_wait3A_118 = tpu.memref_slice %arg3[%mul3A_2] : memref<204800xi32, #tpu.memory_space<hbm>> -> memref<6400xi32, #tpu.memory_space<hbm>>
      %dma_wait3A_119 = tpu.memref_slice %arg3[%mul3A_2] : memref<204800xi32, #tpu.memory_space<hbm>> -> memref<6400xi32, #tpu.memory_space<hbm>>
      tpu.wait_dma2 semaphore(%run_scoped3A : memref<!tpu.dma_semaphore, #tpu.memory_space<semaphore_mem>>) src(%dma_wait3A_119 : memref<6400xi32, #tpu.memory_space<hbm>>) dst(%arg5 : memref<6400xi32, #tpu.memory_space<vmem>>)
      tpu.yield
    }) : () -> ()
    %dma_start3A = arith.constant 0 : i32
    %dma_start3A_3 = arith.constant 0 : i32
    %dma_start3A_4 = arith.constant 0 : i32
    %dma_start3A_5 = tpu.memref_slice %arg6[%dma_start3A, %dma_start3A_3, %dma_start3A_4] : memref<2x40x1024xf32, #tpu.memory_space<vmem>> -> memref<1x40x1024xf32, #tpu.memory_space<vmem>>
    %dma_start3A_6 = tpu.memref_squeeze %dma_start3A_5 : memref<1x40x1024xf32, #tpu.memory_space<vmem>> -> memref<40x1024xf32, #tpu.memory_space<vmem>>
    %dma_start3A_7 = arith.constant 0 : i32
    %dma_start3A_8 = tpu.memref_slice %arg5[%dma_start3A_7] : memref<6400xi32, #tpu.memory_space<vmem>> -> memref<40xi32, #tpu.memory_space<vmem>>
    %dma_start3A_9 = arith.constant 0 : i32
    %dma_start3A_10 = arith.constant 0 : i32
    %dma_start3A_11 = tpu.memref_slice %arg2[%dma_start3A_9, %dma_start3A_10] : memref<1000x1024xf32, #tpu.memory_space<hbm>> -> memref<1000x1024xf32, #tpu.memory_space<hbm>>
    tpu.enqueue_indirect_dma source(%dma_start3A_11 : memref<1000x1024xf32, #tpu.memory_space<hbm>>) target(%dma_start3A_6 : memref<40x1024xf32, #tpu.memory_space<vmem>>) offsets(%dma_start3A_8 : memref<40xi32, #tpu.memory_space<vmem>>) semaphore(%arg7 : memref<!tpu.dma_semaphore, #tpu.memory_space<semaphore_mem>>)
    %dma_wait3A = arith.constant 0 : i32
    %dma_wait3A_12 = arith.constant 0 : i32
    %dma_wait3A_13 = arith.constant 0 : i32
    %dma_wait3A_14 = tpu.memref_slice %arg6[%dma_wait3A, %dma_wait3A_12, %dma_wait3A_13] : memref<2x40x1024xf32, #tpu.memory_space<vmem>> -> memref<1x40x1024xf32, #tpu.memory_space<vmem>>
    %dma_wait3A_15 = tpu.memref_squeeze %dma_wait3A_14 : memref<1x40x1024xf32, #tpu.memory_space<vmem>> -> memref<40x1024xf32, #tpu.memory_space<vmem>>
    %dma_wait3A_16 = arith.constant 0 : i32
    %dma_wait3A_17 = arith.constant 0 : i32
    %dma_wait3A_18 = tpu.memref_slice %arg2[%dma_wait3A_16, %dma_wait3A_17] : memref<1000x1024xf32, #tpu.memory_space<hbm>> -> memref<40x1024xf32, #tpu.memory_space<hbm>>
    %dma_wait3A_19 = arith.constant 0 : i32
    %dma_wait3A_20 = arith.constant 0 : i32
    %dma_wait3A_21 = tpu.memref_slice %arg6[%dma_wait3A, %dma_wait3A_19, %dma_wait3A_20] : memref<2x40x1024xf32, #tpu.memory_space<vmem>> -> memref<1x40x1024xf32, #tpu.memory_space<vmem>>
    %dma_wait3A_22 = tpu.memref_squeeze %dma_wait3A_21 : memref<1x40x1024xf32, #tpu.memory_space<vmem>> -> memref<40x1024xf32, #tpu.memory_space<vmem>>
    %dma_wait3A_23 = arith.constant 0 : i32
    %dma_wait3A_24 = arith.constant 0 : i32
    %dma_wait3A_25 = tpu.memref_slice %arg2[%dma_wait3A_23, %dma_wait3A_24] : memref<1000x1024xf32, #tpu.memory_space<hbm>> -> memref<40x1024xf32, #tpu.memory_space<hbm>>
    tpu.wait_dma2 semaphore(%arg7 : memref<!tpu.dma_semaphore, #tpu.memory_space<semaphore_mem>>) src(%dma_wait3A_25 : memref<40x1024xf32, #tpu.memory_space<hbm>>) dst(%dma_wait3A_22 : memref<40x1024xf32, #tpu.memory_space<vmem>>)
    %dma_start3A_26 = arith.constant 1 : i32
    %dma_start3A_27 = arith.constant 0 : i32
    %dma_start3A_28 = arith.constant 0 : i32
    %dma_start3A_29 = tpu.memref_slice %arg6[%dma_start3A_26, %dma_start3A_27, %dma_start3A_28] : memref<2x40x1024xf32, #tpu.memory_space<vmem>> -> memref<1x40x1024xf32, #tpu.memory_space<vmem>>
    %dma_start3A_30 = tpu.memref_squeeze %dma_start3A_29 : memref<1x40x1024xf32, #tpu.memory_space<vmem>> -> memref<40x1024xf32, #tpu.memory_space<vmem>>
    %dma_start3A_31 = arith.constant 40 : i32
    %dma_start3A_32 = tpu.memref_slice %arg5[%dma_start3A_31] : memref<6400xi32, #tpu.memory_space<vmem>> -> memref<40xi32, #tpu.memory_space<vmem>>
    %dma_start3A_33 = arith.constant 0 : i32
    %dma_start3A_34 = arith.constant 0 : i32
    %dma_start3A_35 = tpu.memref_slice %arg2[%dma_start3A_33, %dma_start3A_34] : memref<1000x1024xf32, #tpu.memory_space<hbm>> -> memref<1000x1024xf32, #tpu.memory_space<hbm>>
    tpu.enqueue_indirect_dma source(%dma_start3A_35 : memref<1000x1024xf32, #tpu.memory_space<hbm>>) target(%dma_start3A_30 : memref<40x1024xf32, #tpu.memory_space<vmem>>) offsets(%dma_start3A_32 : memref<40xi32, #tpu.memory_space<vmem>>) semaphore(%arg8 : memref<!tpu.dma_semaphore, #tpu.memory_space<semaphore_mem>>)
    %add3A_36 = arith.constant 0 : i32
    %add3A_37 = arith.addi %mul3A_2, %add3A_36 : i32
    %dma_start3A_38 = arith.constant 0 : i32
    %dma_start3A_39 = arith.constant 0 : i32
    %dma_start3A_40 = arith.constant 0 : i32
    %dma_start3A_41 = tpu.memref_slice %arg6[%dma_start3A_38, %dma_start3A_39, %dma_start3A_40] : memref<2x40x1024xf32, #tpu.memory_space<vmem>> -> memref<1x40x1024xf32, #tpu.memory_space<vmem>>
    %dma_start3A_42 = tpu.memref_squeeze %dma_start3A_41 : memref<1x40x1024xf32, #tpu.memory_space<vmem>> -> memref<40x1024xf32, #tpu.memory_space<vmem>>
    %dma_start3A_43 = arith.constant 0 : i32
    %dma_start3A_44 = tpu.memref_slice %arg4[%add3A_37, %dma_start3A_43] : memref<204800x1024xf32, #tpu.memory_space<hbm>> -> memref<40x1024xf32, #tpu.memory_space<hbm>>
    %dma_start3A_45 = arith.constant 0 : i32
    %dma_start3A_46 = tpu.memref_slice %arg4[%add3A_37, %dma_start3A_45] : memref<204800x1024xf32, #tpu.memory_space<hbm>> -> memref<40x1024xf32, #tpu.memory_space<hbm>>
    %dma_start3A_47 = arith.constant 0 : i32
    %dma_start3A_48 = arith.constant 0 : i32
    %dma_start3A_49 = tpu.memref_slice %arg6[%dma_start3A_38, %dma_start3A_47, %dma_start3A_48] : memref<2x40x1024xf32, #tpu.memory_space<vmem>> -> memref<1x40x1024xf32, #tpu.memory_space<vmem>>
    %dma_start3A_50 = tpu.memref_squeeze %dma_start3A_49 : memref<1x40x1024xf32, #tpu.memory_space<vmem>> -> memref<40x1024xf32, #tpu.memory_space<vmem>>
    tpu.enqueue_dma source(%dma_start3A_50 : memref<40x1024xf32, #tpu.memory_space<vmem>>) target(%dma_start3A_46 : memref<40x1024xf32, #tpu.memory_space<hbm>>) target_semaphore(%arg9 : memref<!tpu.dma_semaphore, #tpu.memory_space<semaphore_mem>>)
    %scan3A = arith.constant 0 : i32
    %scan3A_51 = arith.constant 0 : i32
    %scan3A_52 = arith.constant 79 : i32
    %scan3A_53 = arith.addi %scan3A_51, %scan3A_52 : i32
    %scan3A_54 = arith.constant 1 : i32
    scf.for %scan3A_116 = %scan3A_51 to %scan3A_53 step %scan3A_54  : i32 {
      %mul3A_117 = arith.constant 2 : i32
      %mul3A_118 = arith.muli %mul3A_117, %scan3A_116 : i32
      %add3A_119 = arith.constant 1 : i32
      %add3A_120 = arith.addi %mul3A_118, %add3A_119 : i32
      %dma_wait3A_121 = arith.constant 1 : i32
      %dma_wait3A_122 = arith.constant 0 : i32
      %dma_wait3A_123 = arith.constant 0 : i32
      %dma_wait3A_124 = tpu.memref_slice %arg6[%dma_wait3A_121, %dma_wait3A_122, %dma_wait3A_123] : memref<2x40x1024xf32, #tpu.memory_space<vmem>> -> memref<1x40x1024xf32, #tpu.memory_space<vmem>>
      %dma_wait3A_125 = tpu.memref_squeeze %dma_wait3A_124 : memref<1x40x1024xf32, #tpu.memory_space<vmem>> -> memref<40x1024xf32, #tpu.memory_space<vmem>>
      %dma_wait3A_126 = arith.constant 0 : i32
      %dma_wait3A_127 = arith.constant 0 : i32
      %dma_wait3A_128 = tpu.memref_slice %arg2[%dma_wait3A_126, %dma_wait3A_127] : memref<1000x1024xf32, #tpu.memory_space<hbm>> -> memref<40x1024xf32, #tpu.memory_space<hbm>>
      %dma_wait3A_129 = arith.constant 0 : i32
      %dma_wait3A_130 = arith.constant 0 : i32
      %dma_wait3A_131 = tpu.memref_slice %arg6[%dma_wait3A_121, %dma_wait3A_129, %dma_wait3A_130] : memref<2x40x1024xf32, #tpu.memory_space<vmem>> -> memref<1x40x1024xf32, #tpu.memory_space<vmem>>
      %dma_wait3A_132 = tpu.memref_squeeze %dma_wait3A_131 : memref<1x40x1024xf32, #tpu.memory_space<vmem>> -> memref<40x1024xf32, #tpu.memory_space<vmem>>
      %dma_wait3A_133 = arith.constant 0 : i32
      %dma_wait3A_134 = arith.constant 0 : i32
      %dma_wait3A_135 = tpu.memref_slice %arg2[%dma_wait3A_133, %dma_wait3A_134] : memref<1000x1024xf32, #tpu.memory_space<hbm>> -> memref<40x1024xf32, #tpu.memory_space<hbm>>
      tpu.wait_dma2 semaphore(%arg8 : memref<!tpu.dma_semaphore, #tpu.memory_space<semaphore_mem>>) src(%dma_wait3A_135 : memref<40x1024xf32, #tpu.memory_space<hbm>>) dst(%dma_wait3A_132 : memref<40x1024xf32, #tpu.memory_space<vmem>>)
      %dma_wait3A_136 = arith.constant 0 : i32
      %dma_wait3A_137 = arith.constant 0 : i32
      %dma_wait3A_138 = arith.constant 0 : i32
      %dma_wait3A_139 = tpu.memref_slice %arg6[%dma_wait3A_136, %dma_wait3A_137, %dma_wait3A_138] : memref<2x40x1024xf32, #tpu.memory_space<vmem>> -> memref<1x40x1024xf32, #tpu.memory_space<vmem>>
      %dma_wait3A_140 = tpu.memref_squeeze %dma_wait3A_139 : memref<1x40x1024xf32, #tpu.memory_space<vmem>> -> memref<40x1024xf32, #tpu.memory_space<vmem>>
      %dma_wait3A_141 = arith.constant 0 : i32
      %dma_wait3A_142 = arith.constant 0 : i32
      %dma_wait3A_143 = tpu.memref_slice %arg4[%dma_wait3A_141, %dma_wait3A_142] : memref<204800x1024xf32, #tpu.memory_space<hbm>> -> memref<40x1024xf32, #tpu.memory_space<hbm>>
      %dma_wait3A_144 = arith.constant 0 : i32
      %dma_wait3A_145 = arith.constant 0 : i32
      %dma_wait3A_146 = tpu.memref_slice %arg4[%dma_wait3A_144, %dma_wait3A_145] : memref<204800x1024xf32, #tpu.memory_space<hbm>> -> memref<40x1024xf32, #tpu.memory_space<hbm>>
      %dma_wait3A_147 = arith.constant 0 : i32
      %dma_wait3A_148 = arith.constant 0 : i32
      %dma_wait3A_149 = tpu.memref_slice %arg6[%dma_wait3A_136, %dma_wait3A_147, %dma_wait3A_148] : memref<2x40x1024xf32, #tpu.memory_space<vmem>> -> memref<1x40x1024xf32, #tpu.memory_space<vmem>>
      %dma_wait3A_150 = tpu.memref_squeeze %dma_wait3A_149 : memref<1x40x1024xf32, #tpu.memory_space<vmem>> -> memref<40x1024xf32, #tpu.memory_space<vmem>>
      tpu.wait_dma2 semaphore(%arg9 : memref<!tpu.dma_semaphore, #tpu.memory_space<semaphore_mem>>) src(%dma_wait3A_150 : memref<40x1024xf32, #tpu.memory_space<vmem>>) dst(%dma_wait3A_146 : memref<40x1024xf32, #tpu.memory_space<hbm>>)
      %add3A_151 = arith.constant 1 : i32
      %add3A_152 = arith.addi %add3A_120, %add3A_151 : i32
      %mul3A_153 = arith.constant 40 : i32
      %mul3A_154 = arith.muli %add3A_152, %mul3A_153 : i32
      %dma_start3A_155 = arith.constant 0 : i32
      %dma_start3A_156 = arith.constant 0 : i32
      %dma_start3A_157 = arith.constant 0 : i32
      %dma_start3A_158 = tpu.memref_slice %arg6[%dma_start3A_155, %dma_start3A_156, %dma_start3A_157] : memref<2x40x1024xf32, #tpu.memory_space<vmem>> -> memref<1x40x1024xf32, #tpu.memory_space<vmem>>
      %dma_start3A_159 = tpu.memref_squeeze %dma_start3A_158 : memref<1x40x1024xf32, #tpu.memory_space<vmem>> -> memref<40x1024xf32, #tpu.memory_space<vmem>>
      %dma_start3A_160 = tpu.memref_slice %arg5[%mul3A_154] : memref<6400xi32, #tpu.memory_space<vmem>> -> memref<40xi32, #tpu.memory_space<vmem>>
      %dma_start3A_161 = arith.constant 0 : i32
      %dma_start3A_162 = arith.constant 0 : i32
      %dma_start3A_163 = tpu.memref_slice %arg2[%dma_start3A_161, %dma_start3A_162] : memref<1000x1024xf32, #tpu.memory_space<hbm>> -> memref<1000x1024xf32, #tpu.memory_space<hbm>>
      tpu.enqueue_indirect_dma source(%dma_start3A_163 : memref<1000x1024xf32, #tpu.memory_space<hbm>>) target(%dma_start3A_159 : memref<40x1024xf32, #tpu.memory_space<vmem>>) offsets(%dma_start3A_160 : memref<40xi32, #tpu.memory_space<vmem>>) semaphore(%arg7 : memref<!tpu.dma_semaphore, #tpu.memory_space<semaphore_mem>>)
      %mul3A_164 = arith.constant 40 : i32
      %mul3A_165 = arith.muli %add3A_120, %mul3A_164 : i32
      %add3A_166 = arith.addi %mul3A_2, %mul3A_165 : i32
      %dma_start3A_167 = arith.constant 1 : i32
      %dma_start3A_168 = arith.constant 0 : i32
      %dma_start3A_169 = arith.constant 0 : i32
      %dma_start3A_170 = tpu.memref_slice %arg6[%dma_start3A_167, %dma_start3A_168, %dma_start3A_169] : memref<2x40x1024xf32, #tpu.memory_space<vmem>> -> memref<1x40x1024xf32, #tpu.memory_space<vmem>>
      %dma_start3A_171 = tpu.memref_squeeze %dma_start3A_170 : memref<1x40x1024xf32, #tpu.memory_space<vmem>> -> memref<40x1024xf32, #tpu.memory_space<vmem>>
      %dma_start3A_172 = arith.constant 0 : i32
      %dma_start3A_173 = tpu.memref_slice %arg4[%add3A_166, %dma_start3A_172] : memref<204800x1024xf32, #tpu.memory_space<hbm>> -> memref<40x1024xf32, #tpu.memory_space<hbm>>
      %dma_start3A_174 = arith.constant 0 : i32
      %dma_start3A_175 = tpu.memref_slice %arg4[%add3A_166, %dma_start3A_174] : memref<204800x1024xf32, #tpu.memory_space<hbm>> -> memref<40x1024xf32, #tpu.memory_space<hbm>>
      %dma_start3A_176 = arith.constant 0 : i32
      %dma_start3A_177 = arith.constant 0 : i32
      %dma_start3A_178 = tpu.memref_slice %arg6[%dma_start3A_167, %dma_start3A_176, %dma_start3A_177] : memref<2x40x1024xf32, #tpu.memory_space<vmem>> -> memref<1x40x1024xf32, #tpu.memory_space<vmem>>
      %dma_start3A_179 = tpu.memref_squeeze %dma_start3A_178 : memref<1x40x1024xf32, #tpu.memory_space<vmem>> -> memref<40x1024xf32, #tpu.memory_space<vmem>>
      tpu.enqueue_dma source(%dma_start3A_179 : memref<40x1024xf32, #tpu.memory_space<vmem>>) target(%dma_start3A_175 : memref<40x1024xf32, #tpu.memory_space<hbm>>) target_semaphore(%arg10 : memref<!tpu.dma_semaphore, #tpu.memory_space<semaphore_mem>>)
      %dma_wait3A_180 = arith.constant 0 : i32
      %dma_wait3A_181 = arith.constant 0 : i32
      %dma_wait3A_182 = arith.constant 0 : i32
      %dma_wait3A_183 = tpu.memref_slice %arg6[%dma_wait3A_180, %dma_wait3A_181, %dma_wait3A_182] : memref<2x40x1024xf32, #tpu.memory_space<vmem>> -> memref<1x40x1024xf32, #tpu.memory_space<vmem>>
      %dma_wait3A_184 = tpu.memref_squeeze %dma_wait3A_183 : memref<1x40x1024xf32, #tpu.memory_space<vmem>> -> memref<40x1024xf32, #tpu.memory_space<vmem>>
      %dma_wait3A_185 = arith.constant 0 : i32
      %dma_wait3A_186 = arith.constant 0 : i32
      %dma_wait3A_187 = tpu.memref_slice %arg2[%dma_wait3A_185, %dma_wait3A_186] : memref<1000x1024xf32, #tpu.memory_space<hbm>> -> memref<40x1024xf32, #tpu.memory_space<hbm>>
      %dma_wait3A_188 = arith.constant 0 : i32
      %dma_wait3A_189 = arith.constant 0 : i32
      %dma_wait3A_190 = tpu.memref_slice %arg6[%dma_wait3A_180, %dma_wait3A_188, %dma_wait3A_189] : memref<2x40x1024xf32, #tpu.memory_space<vmem>> -> memref<1x40x1024xf32, #tpu.memory_space<vmem>>
      %dma_wait3A_191 = tpu.memref_squeeze %dma_wait3A_190 : memref<1x40x1024xf32, #tpu.memory_space<vmem>> -> memref<40x1024xf32, #tpu.memory_space<vmem>>
      %dma_wait3A_192 = arith.constant 0 : i32
      %dma_wait3A_193 = arith.constant 0 : i32
      %dma_wait3A_194 = tpu.memref_slice %arg2[%dma_wait3A_192, %dma_wait3A_193] : memref<1000x1024xf32, #tpu.memory_space<hbm>> -> memref<40x1024xf32, #tpu.memory_space<hbm>>
      tpu.wait_dma2 semaphore(%arg7 : memref<!tpu.dma_semaphore, #tpu.memory_space<semaphore_mem>>) src(%dma_wait3A_194 : memref<40x1024xf32, #tpu.memory_space<hbm>>) dst(%dma_wait3A_191 : memref<40x1024xf32, #tpu.memory_space<vmem>>)
      %dma_wait3A_195 = arith.constant 1 : i32
      %dma_wait3A_196 = arith.constant 0 : i32
      %dma_wait3A_197 = arith.constant 0 : i32
      %dma_wait3A_198 = tpu.memref_slice %arg6[%dma_wait3A_195, %dma_wait3A_196, %dma_wait3A_197] : memref<2x40x1024xf32, #tpu.memory_space<vmem>> -> memref<1x40x1024xf32, #tpu.memory_space<vmem>>
      %dma_wait3A_199 = tpu.memref_squeeze %dma_wait3A_198 : memref<1x40x1024xf32, #tpu.memory_space<vmem>> -> memref<40x1024xf32, #tpu.memory_space<vmem>>
      %dma_wait3A_200 = arith.constant 0 : i32
      %dma_wait3A_201 = arith.constant 0 : i32
      %dma_wait3A_202 = tpu.memref_slice %arg4[%dma_wait3A_200, %dma_wait3A_201] : memref<204800x1024xf32, #tpu.memory_space<hbm>> -> memref<40x1024xf32, #tpu.memory_space<hbm>>
      %dma_wait3A_203 = arith.constant 0 : i32
      %dma_wait3A_204 = arith.constant 0 : i32
      %dma_wait3A_205 = tpu.memref_slice %arg4[%dma_wait3A_203, %dma_wait3A_204] : memref<204800x1024xf32, #tpu.memory_space<hbm>> -> memref<40x1024xf32, #tpu.memory_space<hbm>>
      %dma_wait3A_206 = arith.constant 0 : i32
      %dma_wait3A_207 = arith.constant 0 : i32
      %dma_wait3A_208 = tpu.memref_slice %arg6[%dma_wait3A_195, %dma_wait3A_206, %dma_wait3A_207] : memref<2x40x1024xf32, #tpu.memory_space<vmem>> -> memref<1x40x1024xf32, #tpu.memory_space<vmem>>
      %dma_wait3A_209 = tpu.memref_squeeze %dma_wait3A_208 : memref<1x40x1024xf32, #tpu.memory_space<vmem>> -> memref<40x1024xf32, #tpu.memory_space<vmem>>
      tpu.wait_dma2 semaphore(%arg10 : memref<!tpu.dma_semaphore, #tpu.memory_space<semaphore_mem>>) src(%dma_wait3A_209 : memref<40x1024xf32, #tpu.memory_space<vmem>>) dst(%dma_wait3A_205 : memref<40x1024xf32, #tpu.memory_space<hbm>>)
      %add3A_210 = arith.constant 2 : i32
      %add3A_211 = arith.addi %add3A_120, %add3A_210 : i32
      %mul3A_212 = arith.constant 40 : i32
      %mul3A_213 = arith.muli %add3A_211, %mul3A_212 : i32
      %dma_start3A_214 = arith.constant 1 : i32
      %dma_start3A_215 = arith.constant 0 : i32
      %dma_start3A_216 = arith.constant 0 : i32
      %dma_start3A_217 = tpu.memref_slice %arg6[%dma_start3A_214, %dma_start3A_215, %dma_start3A_216] : memref<2x40x1024xf32, #tpu.memory_space<vmem>> -> memref<1x40x1024xf32, #tpu.memory_space<vmem>>
      %dma_start3A_218 = tpu.memref_squeeze %dma_start3A_217 : memref<1x40x1024xf32, #tpu.memory_space<vmem>> -> memref<40x1024xf32, #tpu.memory_space<vmem>>
      %dma_start3A_219 = tpu.memref_slice %arg5[%mul3A_213] : memref<6400xi32, #tpu.memory_space<vmem>> -> memref<40xi32, #tpu.memory_space<vmem>>
      %dma_start3A_220 = arith.constant 0 : i32
      %dma_start3A_221 = arith.constant 0 : i32
      %dma_start3A_222 = tpu.memref_slice %arg2[%dma_start3A_220, %dma_start3A_221] : memref<1000x1024xf32, #tpu.memory_space<hbm>> -> memref<1000x1024xf32, #tpu.memory_space<hbm>>
      tpu.enqueue_indirect_dma source(%dma_start3A_222 : memref<1000x1024xf32, #tpu.memory_space<hbm>>) target(%dma_start3A_218 : memref<40x1024xf32, #tpu.memory_space<vmem>>) offsets(%dma_start3A_219 : memref<40xi32, #tpu.memory_space<vmem>>) semaphore(%arg8 : memref<!tpu.dma_semaphore, #tpu.memory_space<semaphore_mem>>)
      %add3A_223 = arith.constant 1 : i32
      %add3A_224 = arith.addi %add3A_120, %add3A_223 : i32
      %mul3A_225 = arith.constant 40 : i32
      %mul3A_226 = arith.muli %add3A_224, %mul3A_225 : i32
      %add3A_227 = arith.addi %mul3A_2, %mul3A_226 : i32
      %dma_start3A_228 = arith.constant 0 : i32
      %dma_start3A_229 = arith.constant 0 : i32
      %dma_start3A_230 = arith.constant 0 : i32
      %dma_start3A_231 = tpu.memref_slice %arg6[%dma_start3A_228, %dma_start3A_229, %dma_start3A_230] : memref<2x40x1024xf32, #tpu.memory_space<vmem>> -> memref<1x40x1024xf32, #tpu.memory_space<vmem>>
      %dma_start3A_232 = tpu.memref_squeeze %dma_start3A_231 : memref<1x40x1024xf32, #tpu.memory_space<vmem>> -> memref<40x1024xf32, #tpu.memory_space<vmem>>
      %dma_start3A_233 = arith.constant 0 : i32
      %dma_start3A_234 = tpu.memref_slice %arg4[%add3A_227, %dma_start3A_233] : memref<204800x1024xf32, #tpu.memory_space<hbm>> -> memref<40x1024xf32, #tpu.memory_space<hbm>>
      %dma_start3A_235 = arith.constant 0 : i32
      %dma_start3A_236 = tpu.memref_slice %arg4[%add3A_227, %dma_start3A_235] : memref<204800x1024xf32, #tpu.memory_space<hbm>> -> memref<40x1024xf32, #tpu.memory_space<hbm>>
      %dma_start3A_237 = arith.constant 0 : i32
      %dma_start3A_238 = arith.constant 0 : i32
      %dma_start3A_239 = tpu.memref_slice %arg6[%dma_start3A_228, %dma_start3A_237, %dma_start3A_238] : memref<2x40x1024xf32, #tpu.memory_space<vmem>> -> memref<1x40x1024xf32, #tpu.memory_space<vmem>>
      %dma_start3A_240 = tpu.memref_squeeze %dma_start3A_239 : memref<1x40x1024xf32, #tpu.memory_space<vmem>> -> memref<40x1024xf32, #tpu.memory_space<vmem>>
      tpu.enqueue_dma source(%dma_start3A_240 : memref<40x1024xf32, #tpu.memory_space<vmem>>) target(%dma_start3A_236 : memref<40x1024xf32, #tpu.memory_space<hbm>>) target_semaphore(%arg9 : memref<!tpu.dma_semaphore, #tpu.memory_space<semaphore_mem>>)
    }
    %scan3A_55 = arith.constant 79 : i32
    %dma_wait3A_56 = arith.constant 1 : i32
    %dma_wait3A_57 = arith.constant 0 : i32
    %dma_wait3A_58 = arith.constant 0 : i32
    %dma_wait3A_59 = tpu.memref_slice %arg6[%dma_wait3A_56, %dma_wait3A_57, %dma_wait3A_58] : memref<2x40x1024xf32, #tpu.memory_space<vmem>> -> memref<1x40x1024xf32, #tpu.memory_space<vmem>>
    %dma_wait3A_60 = tpu.memref_squeeze %dma_wait3A_59 : memref<1x40x1024xf32, #tpu.memory_space<vmem>> -> memref<40x1024xf32, #tpu.memory_space<vmem>>
    %dma_wait3A_61 = arith.constant 0 : i32
    %dma_wait3A_62 = arith.constant 0 : i32
    %dma_wait3A_63 = tpu.memref_slice %arg2[%dma_wait3A_61, %dma_wait3A_62] : memref<1000x1024xf32, #tpu.memory_space<hbm>> -> memref<40x1024xf32, #tpu.memory_space<hbm>>
    %dma_wait3A_64 = arith.constant 0 : i32
    %dma_wait3A_65 = arith.constant 0 : i32
    %dma_wait3A_66 = tpu.memref_slice %arg6[%dma_wait3A_56, %dma_wait3A_64, %dma_wait3A_65] : memref<2x40x1024xf32, #tpu.memory_space<vmem>> -> memref<1x40x1024xf32, #tpu.memory_space<vmem>>
    %dma_wait3A_67 = tpu.memref_squeeze %dma_wait3A_66 : memref<1x40x1024xf32, #tpu.memory_space<vmem>> -> memref<40x1024xf32, #tpu.memory_space<vmem>>
    %dma_wait3A_68 = arith.constant 0 : i32
    %dma_wait3A_69 = arith.constant 0 : i32
    %dma_wait3A_70 = tpu.memref_slice %arg2[%dma_wait3A_68, %dma_wait3A_69] : memref<1000x1024xf32, #tpu.memory_space<hbm>> -> memref<40x1024xf32, #tpu.memory_space<hbm>>
    tpu.wait_dma2 semaphore(%arg8 : memref<!tpu.dma_semaphore, #tpu.memory_space<semaphore_mem>>) src(%dma_wait3A_70 : memref<40x1024xf32, #tpu.memory_space<hbm>>) dst(%dma_wait3A_67 : memref<40x1024xf32, #tpu.memory_space<vmem>>)
    %dma_wait3A_71 = arith.constant 0 : i32
    %dma_wait3A_72 = arith.constant 0 : i32
    %dma_wait3A_73 = arith.constant 0 : i32
    %dma_wait3A_74 = tpu.memref_slice %arg6[%dma_wait3A_71, %dma_wait3A_72, %dma_wait3A_73] : memref<2x40x1024xf32, #tpu.memory_space<vmem>> -> memref<1x40x1024xf32, #tpu.memory_space<vmem>>
    %dma_wait3A_75 = tpu.memref_squeeze %dma_wait3A_74 : memref<1x40x1024xf32, #tpu.memory_space<vmem>> -> memref<40x1024xf32, #tpu.memory_space<vmem>>
    %dma_wait3A_76 = arith.constant 0 : i32
    %dma_wait3A_77 = arith.constant 0 : i32
    %dma_wait3A_78 = tpu.memref_slice %arg4[%dma_wait3A_76, %dma_wait3A_77] : memref<204800x1024xf32, #tpu.memory_space<hbm>> -> memref<40x1024xf32, #tpu.memory_space<hbm>>
    %dma_wait3A_79 = arith.constant 0 : i32
    %dma_wait3A_80 = arith.constant 0 : i32
    %dma_wait3A_81 = tpu.memref_slice %arg4[%dma_wait3A_79, %dma_wait3A_80] : memref<204800x1024xf32, #tpu.memory_space<hbm>> -> memref<40x1024xf32, #tpu.memory_space<hbm>>
    %dma_wait3A_82 = arith.constant 0 : i32
    %dma_wait3A_83 = arith.constant 0 : i32
    %dma_wait3A_84 = tpu.memref_slice %arg6[%dma_wait3A_71, %dma_wait3A_82, %dma_wait3A_83] : memref<2x40x1024xf32, #tpu.memory_space<vmem>> -> memref<1x40x1024xf32, #tpu.memory_space<vmem>>
    %dma_wait3A_85 = tpu.memref_squeeze %dma_wait3A_84 : memref<1x40x1024xf32, #tpu.memory_space<vmem>> -> memref<40x1024xf32, #tpu.memory_space<vmem>>
    tpu.wait_dma2 semaphore(%arg9 : memref<!tpu.dma_semaphore, #tpu.memory_space<semaphore_mem>>) src(%dma_wait3A_85 : memref<40x1024xf32, #tpu.memory_space<vmem>>) dst(%dma_wait3A_81 : memref<40x1024xf32, #tpu.memory_space<hbm>>)
    %add3A_86 = arith.constant 6360 : i32
    %add3A_87 = arith.addi %mul3A_2, %add3A_86 : i32
    %dma_start3A_88 = arith.constant 1 : i32
    %dma_start3A_89 = arith.constant 0 : i32
    %dma_start3A_90 = arith.constant 0 : i32
    %dma_start3A_91 = tpu.memref_slice %arg6[%dma_start3A_88, %dma_start3A_89, %dma_start3A_90] : memref<2x40x1024xf32, #tpu.memory_space<vmem>> -> memref<1x40x1024xf32, #tpu.memory_space<vmem>>
    %dma_start3A_92 = tpu.memref_squeeze %dma_start3A_91 : memref<1x40x1024xf32, #tpu.memory_space<vmem>> -> memref<40x1024xf32, #tpu.memory_space<vmem>>
    %dma_start3A_93 = arith.constant 0 : i32
    %dma_start3A_94 = tpu.memref_slice %arg4[%add3A_87, %dma_start3A_93] : memref<204800x1024xf32, #tpu.memory_space<hbm>> -> memref<40x1024xf32, #tpu.memory_space<hbm>>
    %dma_start3A_95 = arith.constant 0 : i32
    %dma_start3A_96 = tpu.memref_slice %arg4[%add3A_87, %dma_start3A_95] : memref<204800x1024xf32, #tpu.memory_space<hbm>> -> memref<40x1024xf32, #tpu.memory_space<hbm>>
    %dma_start3A_97 = arith.constant 0 : i32
    %dma_start3A_98 = arith.constant 0 : i32
    %dma_start3A_99 = tpu.memref_slice %arg6[%dma_start3A_88, %dma_start3A_97, %dma_start3A_98] : memref<2x40x1024xf32, #tpu.memory_space<vmem>> -> memref<1x40x1024xf32, #tpu.memory_space<vmem>>
    %dma_start3A_100 = tpu.memref_squeeze %dma_start3A_99 : memref<1x40x1024xf32, #tpu.memory_space<vmem>> -> memref<40x1024xf32, #tpu.memory_space<vmem>>
    tpu.enqueue_dma source(%dma_start3A_100 : memref<40x1024xf32, #tpu.memory_space<vmem>>) target(%dma_start3A_96 : memref<40x1024xf32, #tpu.memory_space<hbm>>) target_semaphore(%arg10 : memref<!tpu.dma_semaphore, #tpu.memory_space<semaphore_mem>>)
    %dma_wait3A_101 = arith.constant 1 : i32
    %dma_wait3A_102 = arith.constant 0 : i32
    %dma_wait3A_103 = arith.constant 0 : i32
    %dma_wait3A_104 = tpu.memref_slice %arg6[%dma_wait3A_101, %dma_wait3A_102, %dma_wait3A_103] : memref<2x40x1024xf32, #tpu.memory_space<vmem>> -> memref<1x40x1024xf32, #tpu.memory_space<vmem>>
    %dma_wait3A_105 = tpu.memref_squeeze %dma_wait3A_104 : memref<1x40x1024xf32, #tpu.memory_space<vmem>> -> memref<40x1024xf32, #tpu.memory_space<vmem>>
    %dma_wait3A_106 = arith.constant 0 : i32
    %dma_wait3A_107 = arith.constant 0 : i32
    %dma_wait3A_108 = tpu.memref_slice %arg4[%dma_wait3A_106, %dma_wait3A_107] : memref<204800x1024xf32, #tpu.memory_space<hbm>> -> memref<40x1024xf32, #tpu.memory_space<hbm>>
    %dma_wait3A_109 = arith.constant 0 : i32
    %dma_wait3A_110 = arith.constant 0 : i32
    %dma_wait3A_111 = tpu.memref_slice %arg4[%dma_wait3A_109, %dma_wait3A_110] : memref<204800x1024xf32, #tpu.memory_space<hbm>> -> memref<40x1024xf32, #tpu.memory_space<hbm>>
    %dma_wait3A_112 = arith.constant 0 : i32
    %dma_wait3A_113 = arith.constant 0 : i32
    %dma_wait3A_114 = tpu.memref_slice %arg6[%dma_wait3A_101, %dma_wait3A_112, %dma_wait3A_113] : memref<2x40x1024xf32, #tpu.memory_space<vmem>> -> memref<1x40x1024xf32, #tpu.memory_space<vmem>>
    %dma_wait3A_115 = tpu.memref_squeeze %dma_wait3A_114 : memref<1x40x1024xf32, #tpu.memory_space<vmem>> -> memref<40x1024xf32, #tpu.memory_space<vmem>>
    tpu.wait_dma2 semaphore(%arg10 : memref<!tpu.dma_semaphore, #tpu.memory_space<semaphore_mem>>) src(%dma_wait3A_115 : memref<40x1024xf32, #tpu.memory_space<vmem>>) dst(%dma_wait3A_111 : memref<40x1024xf32, #tpu.memory_space<hbm>>)
    return
  }
}

module attributes {stable_mosaic.version = 14 : i64} {
  func.func @_project_body(%arg0: memref<1000x128xf32, #tpu.memory_space<vmem>>, %arg1: memref<128x1024xf32, #tpu.memory_space<vmem>>, %arg2: memref<1x1024xf32, #tpu.memory_space<vmem>>, %arg3: memref<1000x1024xf32, #tpu.memory_space<vmem>>) attributes {dimension_semantics = [], scalar_prefetch = 0 : i64, scratch_operands = 0 : i64, tpu.core_type = #tpu.core_type<tc>} {
    %get3A = arith.constant 0 : index
    %get3A_0 = arith.constant 0 : index
    %get3A_1 = vector.load %arg0[%get3A, %get3A_0] : memref<1000x128xf32, #tpu.memory_space<vmem>>, vector<1000x128xf32>
    %get3A_2 = arith.constant 0 : index
    %get3A_3 = arith.constant 0 : index
    %get3A_4 = vector.load %arg1[%get3A_2, %get3A_3] : memref<128x1024xf32, #tpu.memory_space<vmem>>, vector<128x1024xf32>
    %dot_general3A = arith.constant dense<0.000000e+00> : vector<1000x1024xf32>
    %dot_general3A_5 = tpu.matmul %get3A_1, %get3A_4, %dot_general3A {dimension_numbers = #tpu.dot_dimension_numbers<[1], [0], [0], [1], [0, 0, 1, 1], [], []>, transpose_lhs_hint = false} : vector<1000x128xf32>, vector<128x1024xf32>, vector<1000x1024xf32> -> vector<1000x1024xf32>
    %get3A_6 = arith.constant 0 : index
    %get3A_7 = arith.constant 0 : index
    %get3A_8 = vector.load %arg2[%get3A_6, %get3A_7] : memref<1x1024xf32, #tpu.memory_space<vmem>>, vector<1x1024xf32>
    %add3A = vector.broadcast %get3A_8 : vector<1x1024xf32> to vector<1000x1024xf32>
    %add3A_9 = arith.addf %dot_general3A_5, %add3A : vector<1000x1024xf32>
    %swap3A = arith.constant 0 : index
    %swap3A_10 = arith.constant 0 : index
    %swap3A_11 = vector.load %arg3[%swap3A, %swap3A_10] : memref<1000x1024xf32, #tpu.memory_space<vmem>>, vector<1000x1024xf32>
    tpu.vector_store %arg3[%swap3A, %swap3A_10], %add3A_9 {strides = array<i32>} : memref<1000x1024xf32, #tpu.memory_space<vmem>>, vector<1000x1024xf32>,
    return
  }
}

</mosaic_0001>

<sc_bundles>
// kernel: kernel.4.cloned.1.call-start
scs
__scs_entry_jumppad:
0x0: {  	(pc) =	sbr.rel $0x88, $3  }
0x1: {  	(tag) =	ssettag $0x0;
	lr =	simm.s32 $0x1  }
0x2: {  	[smem:$0x3F9D] =	sst lr;
	_ =	strace $0xD0000000  }
0x3: {  	_ = 	snop  }
0x4: {  	_ = 	snop  }
0x5: {  	_ = 	snop  }
0x6: {  	_ = 	snop  }
0x7: {  	_ = 	snop  }
__scs_overlays_trampoline_lowered:
0x8: {  	[smem:$0x3FAC] =	sst s0  }
0x9: {  	[smem:$0x3FAD] =	sst s1  }
0xa: {  	[smem:$0x3FAE] =	sst s2  }
0xb: {  	[smem:$0x3FAF] =	sst s3  }
0xc: {  	[smem:$0x3FB0] =	sst s4  }
0xd: {  	[smem:$0x3FB1] =	sst s5  }
0xe: {  	[smem:$0x3FB2] =	sst s6  }
0xf: {  	[smem:$0x3FB3] =	sst s7  }
0x10: {  	[smem:$0x3FB4] =	sst s8  }
0x11: {  	[smem:$0x3FB5] =	sst s9;
	s0 =	simm.s32 @!p0 $0x0  }
0x12: {  	s1 =	sld [smem:$0x3F9B];
	s0 =	simm.s32 @p0 $0x1  }
0x13: {  	[smem:$0x3FB6] =	sst s0;
	s0 =	simm.s32 @!p1 $0x0  }
0x14: {  	s2 =	sld [smem:$0x3F9A];
	s0 =	simm.s32 @p1 $0x1  }
0x15: {  	[smem:$0x3FB7] =	sst s0;
	s0 =	simm.s32 @!p2 $0x0  }
0x16: {  	s3 =	sld [smem:$0x3FDB];
	s0 =	simm.s32 @p2 $0x1  }
0x17: {  	s4 =	simm.s32 $0x1BF5;
	[smem:$0x3FB9] =	sst s0  }
0x18: {  	s0 =	sld [smem:$0x3F9C];
	_ =	swait.ge [sflag:s4], $0x0  }
0x19: {  	s7 =	sld [smem:$0x3F9D]  }
0x1a: {  	s8 =	sadd.s32 $0xFFFFE003, lr  }
0x1b: {  	s9 =	sadd.s32 $0xFFFFFEF7, lr;
	s5 =	simm.s32 $0xFFFFFFFF;
	p2 =	slt.u32 s8, $0xFFFFF086  }
0x1c: {  	p1 =	slt.u32 s9, $0xF7A;
	s5 =	simm.s32 @!p2 $0x0  }
0x1d: {  	s5 =	simm.s32 @p1 $0x1;
	p0 =	seq.s32 s7, s2  }
0x1e: {  	s7 =	smul.u32 @!p0 $0xF7A, s2;
	p2 =	seq.s32 @!p0 s5, $0x0  }
0x1f: {  	s9 =	smul.u32 $0xF7A, s1;
	s8 =	simm.s32 @!p0 $0x1BF5;
	p2 =	por !p2, p0  }
0x20: {  	[sflag:s8] =	ssyncset.s32 @!p0 $0xFFFFF086;
	s6 =	sadd.s32 @!p0 s3, s7;
	s7 =	simm.s32 @!p0 $0x108  }
0x21: {  	s3 =	sadd.s32 s3, s9;
	s6 =	sadd.s32 @!p0 $0x88, s6;
	s7 =	simm.s32 @p2 $0x1082  }
0x22: {  	[simem:s7], [sflag:s8] =	dma.local @!p0 [hbm:s6], $0xF7A  }
0x23: {  	s9 =	sor.u32 $0xD0000000, s2;
	s6 =	simm.s32 $0x108;
	_ =	swait.ge @!p0 [sflag:s8], $0x0  }
0x24: {  	s3 =	sadd.s32 $0x88, s3;
	s6 =	simm.s32 @!p1 $0x1082;
	[sflag:s4] =	ssyncset.s32 $0xFFFFF086  }
0x25: {  	[simem:s6], [sflag:s4] =	dma.local [hbm:s3], $0xF7A  }
0x26: {  	[smem:$0x3F9D] =	sst s1;
	(tag) =	ssettag s2;
	_ =	strace s9  }
0x27: {  	s1 =	sld [smem:$0x3FAD]  }
0x28: {  	s2 =	sld [smem:$0x3FAE]  }
0x29: {  	s4 =	sld [smem:$0x3FB0]  }
0x2a: {  	p0 =	seq.s32 s5, $0x0;
	s5 =	sld [smem:$0x3FB1]  }
0x2b: {  	s6 =	sld [smem:$0x3FB2]  }
0x2c: {  	s7 =	sld [smem:$0x3FB3]  }
0x2d: {  	s3 =	simm.s32 $0x108;
	s8 =	sld [smem:$0x3FB4]  }
0x2e: {  	s3 =	simm.s32 @!p0 $0x1082;
	s9 =	sld [smem:$0x3FB5]  }
0x2f: {  	lr =	sadd.s32 s0, s3;
	s0 =	sld [smem:$0x3FAC]  }
0x30: {  	s3 =	sld [smem:$0x3FAF]  }
0x31: {  	[smem:$0x3FB8] =	sst s10  }
0x32: {  	s10 =	sld [smem:$0x3FB6];
	_ =	sdelay $0x3  }
0x33: {  	p0 =	seq.s32 s10, $0x1;
	s10 =	sld [smem:$0x3FB8];
	_ =	sdelay $0x3  }
0x34: {  	[smem:$0x3FB8] =	sst s10  }
0x35: {  	s10 =	sld [smem:$0x3FB7];
	_ =	sdelay $0x3  }
0x36: {  	p1 =	seq.s32 s10, $0x1;
	s10 =	sld [smem:$0x3FB8];
	_ =	sdelay $0x3  }
0x37: {  	[smem:$0x3FB8] =	sst s10  }
0x38: {  	s10 =	sld [smem:$0x3FB9]  }
0x39: {  	_ = 	snop;
	(pc) =	sbr.ind lr, $3  }
0x3a: {  	_ = 	snop  }
0x3b: {  	_ = 	snop  }
0x3c: {  	p2 =	seq.s32 s10, $0x1;
	s10 =	sld [smem:$0x3FB8]  }
0x3d: {  	_ =	shalt  }
0x3e: {  	_ =	shalt  }
0x3f: {  	_ =	shalt  }
0x40: {  	_ =	shalt  }
0x41: {  	_ =	shalt  }
0x42: {  	_ =	shalt  }
0x43: {  	_ =	shalt  }
0x44: {  	_ =	shalt  }
0x45: {  	_ =	shalt  }
0x46: {  	_ =	shalt  }
0x47: {  	_ =	shalt  }
0x48: {  	_ =	shalt  }
0x49: {  	_ =	shalt  }
0x4a: {  	_ =	shalt  }
0x4b: {  	_ =	shalt  }
0x4c: {  	_ =	shalt  }
0x4d: {  	_ =	shalt  }
0x4e: {  	_ =	shalt  }
0x4f: {  	_ =	shalt  }
0x50: {  	_ =	shalt  }
0x51: {  	_ =	shalt  }
0x52: {  	_ =	shalt  }
0x53: {  	_ =	shalt  }
0x54: {  	_ =	shalt  }
0x55: {  	_ =	shalt  }
0x56: {  	_ =	shalt  }
0x57: {  	_ =	shalt  }
0x58: {  	_ =	shalt  }
0x59: {  	_ =	shalt  }
0x5a: {  	_ =	shalt  }
0x5b: {  	_ =	shalt  }
0x5c: {  	_ =	shalt  }
0x5d: {  	_ =	shalt  }
0x5e: {  	_ =	shalt  }
0x5f: {  	_ =	shalt  }
0x60: {  	_ =	shalt  }
0x61: {  	_ =	shalt  }
0x62: {  	_ =	shalt  }
0x63: {  	_ =	shalt  }
0x64: {  	_ =	shalt  }
0x65: {  	_ =	shalt  }
0x66: {  	_ =	shalt  }
0x67: {  	_ =	shalt  }
0x68: {  	_ =	shalt  }
0x69: {  	_ =	shalt  }
0x6a: {  	_ =	shalt  }
0x6b: {  	_ =	shalt  }
0x6c: {  	_ =	shalt  }
0x6d: {  	_ =	shalt  }
0x6e: {  	_ =	shalt  }
0x6f: {  	_ =	shalt  }
0x70: {  	_ =	shalt  }
0x71: {  	_ =	shalt  }
0x72: {  	_ =	shalt  }
0x73: {  	_ =	shalt  }
0x74: {  	_ =	shalt  }
0x75: {  	_ =	shalt  }
0x76: {  	_ =	shalt  }
0x77: {  	_ =	shalt  }
0x78: {  	_ =	shalt  }
0x79: {  	_ =	shalt  }
0x7a: {  	_ =	shalt  }
0x7b: {  	_ =	shalt  }
0x7c: {  	_ =	shalt  }
0x7d: {  	_ =	shalt  }
0x7e: {  	_ =	shalt  }
0x7f: {  	_ =	shalt  }
0x80: {  	_ =	shalt  }
0x81: {  	_ =	shalt  }
0x82: {  	_ =	shalt  }
0x83: {  	_ =	shalt  }
0x84: {  	_ =	shalt  }
0x85: {  	_ =	shalt  }
0x86: {  	_ =	shalt  }
0x87: {  	_ =	shalt  }
.Lfunc_end0:
.L_simem_size_0:
called_computation.1_lowered:
.L_overlay_start_0:
0x88: {  	s2 =	sld [smem:$0x3FD9]  }
0x89: {  	s3 =	sld [smem:$0x3FFE];
	_ =	sdelay $0x1  }
0x8a: {  	s1 =	srdreg.scid  }
0x8b: {  	s0 =	sand.u32 $0x1, s1  }
0x8c: {  	s17 =	sshll.u32 s0, $0xA;
	s2 =	sadd.s32 s3, s2  }
0x8d: {  	s2 =	sadd.s32 s2, s17  }
0x8e: {  	[smem:$0x3FC4] =	sst s2  }
0x8f: {  	_ = 	snop  }
0x90: {  	s2 =	sld [smem:$0x3FD0];
	(tm) =	ssettm $0x1  }
0x91: {  	s18 =	sld [smem:$0x3FFB];
	_ =	sdelay $0x3  }
0x92: {  	_ =	strace s18  }
0x93: {  	s3 =	sld [smem:$0x3FFC];
	_ =	sdelay $0x3  }
0x94: {  	_ =	strace s3  }
0x95: {  	s3 =	sld [smem:$0x3FFD];
	_ =	sdelay $0x3  }
0x96: {  	_ =	strace s3  }
0x97: {  	_ =	strace $0x8FFFFFFF  }
0x98: {  	s19 =	sld [smem:$0x3FDB];
	_ =	sdelay $0x1  }
0x99: {  	s4 =	simm.s32 $_scs_section_size  }
0x9a: {  	s5 =	simm.s32 $_size__tile_overlayer_lowered;
	s6 =	simm.s32 $_tile_overlayer_lowered  }
0x9b: {  	s22 =	simm.s32 $0x1BFF;
	s21 =	sshll.u32 s6, $0x1;
	s3 =	sadd.s32 s4, s19  }
0x9c: {  	s7 =	simm.s32 $0x0;
	s20 =	sshll.u32 s5, $0x1;
	s5 =	sadd.s32 s21, s3  }
0x9d: {  	[timem:s7], [sflag:s22] =	dma.local [hbm:s5], s20  }
0x9e: {  	_ =	swait.ge [sflag:s22], s20  }
0x9f: {  	s4 =	ssub.s32 $0x0, s20;
	[sflag:s22] =	ssyncset.done $0x0  }
0xa0: {  	[sflag:s22] =	ssyncadd.s32 s4;
	_ =	sdelay $0x1  }
0xa1: {  	s23 =	simm.s32 $0x1B8B  }
0xa2: {  	_ =	swait.ge [sflag:s23], $0x1  }
0xa3: {  	[sflag:s23] =	ssyncset.done $0x0  }
0xa4: {  	s25 =	simm.s32 $0x1B8E;
	s24 =	sld [smem:$0x3FFE];
	[sflag:s23] =	ssyncadd.s32 $0xFFFFFFFF  }
0xa5: {  	s26 =	simm.s32 $execute0_lowered;
	[smem:$0x3FD2] =	sst s25  }
0xa6: {  	s5 =	sshll.u32 s26, $0x1;
	_ =	strace $0x80000046;
	[dreg:$0x1] =	wrdreg $0xFFFFFFFF  }
0xa7: {  	s28 =	simm.s32 $_size_execute0_lowered;
	s3 =	sadd.s32 s3, s5;
	[dreg:$0x0] =	wrdreg $0x0  }
0xa8: {  	s5 =	sshll.u32 s28, $0x1;
	[dreg:$0x2] =	wrdreg s3  }
0xa9: {  	[dreg:$0x3] =	wrdreg s5  }
0xaa: {  	[dreg:$0x4] =	wrdreg $0xC0  }
0xab: {  	_ =	task [dreg:s7], $0x5FFFF  }
0xac: {  	[dreg:$0x1] =	wrdreg $0xFFFFFFFF  }
0xad: {  	[dreg:$0x0] =	wrdreg $0x60  }
0xae: {  	[dreg:$0x2] =	wrdreg s24  }
0xaf: {  	[dreg:$0x3] =	wrdreg s2  }
0xb0: {  	[dreg:$0x4] =	wrdreg $0x9  }
0xb1: {  	_ =	task.clear_ibuf [dreg:s7], $0x5FFFF;
	_ =	strace $0x90000046  }
0xb2: {  	s29 =	simm.s32 $0x9;
	_ =	strace $0x80000048  }
0xb3: {  	_ =	swait.ge [sflag:s29], $0x1  }
0xb4: {  	[sflag:s29] =	ssyncadd.s32 $0xFFFFFFFF  }
0xb5: {  	_ =	strace $0x90000048  }
0xb6: {  	_ =	sfence  }
0xb7: {  	s30 =	sld [smem:$0x0];
	_ =	sdelay $0x2  }
0xb8: {  	s31 =	sshll.u32 s1, $0xD;
	s1 =	sshrl.u32 s1, $0x2  }
0xb9: {  	s3 =	sand.u32 $0x4000, s31;
	s1 =	sadd.s32 s1, s30  }
0xba: {  	s0 =	sor.u32 s3, s0;
	s1 =	sshll.u32 s1, $0x11  }
0xbb: {  	s0 =	sor.u32 s1, s0  }
0xbc: {  	s0 =	sadd.s32 $0x8F2B, s0  }
0xbd: {  	[sflag:s0] =	ssyncadd.remote.s32 $0x1  }
0xbe: {  	_ =	sfence.sel $0xFFFF  }
0xbf: {  	[dreg:$0x0] =	wrdreg $0xFFFFFFFF;
	(pc) =	sbr.abs _section_cstart, $3  }
0xc0: {  	[dreg:$0x1] =	wrdreg $0xFFFFFFFF  }
0xc1: {  	_ =	task.clear_ibuf [dreg:s7], $0x2FFFF;
	_ =	strace $0x9FFFFFFF  }
0xc2: {  	(tm) =	ssettm $0x7FFFFFFF  }
0xc3: {  	_ =	shalt  }
tec
execute0_lowered:
.L_overlay_start_1:
0x0: {  	(tag) =	ssettag $0x1  }
0x1: {  	s0 =	rddreg [dreg:$0x0];
	s1 =	srdreg.scid  }
0x2: {  	s10 =	stileid.u32;
	s4 =	rddreg [dreg:$0x1]  }
0x3: {  	s2 =	simm.s32 $0x0;
	s28 =	simm.s32 $0x1900;
	s14 =	simm.s32 $0x4900  }
0x4: {  	s15 =	simm.s32 $0x5100;
	s16 =	simm.s32 $0x5900;
	s17 =	simm.s32 $0x6100  }
0x5: {  	s18 =	simm.s32 $0x6900;
	s19 =	simm.s32 $0x7100;
	s20 =	simm.s32 $0x7900  }
0x6: {  	s21 =	simm.s32 $0x8100;
	s12 =	simm.s32 $0xB100;
	s13 =	simm.s32 $0xB900  }
0x7: {  	s29 =	simm.s32 $0x2;
	s30 =	simm.s32 $0x3;
	s1 =	sand.u32 $0x1, s1  }
0x8: {  	s3 =	sshll.u32 s10, $0x1;
	[smem:$0x7FF] =	sst s2;
	s10 =	smul.u32 $0x190000, s10  }
0x9: {  	s5 =	sor.u32 s1, s3;
	s7 =	ssub.s32 $0x2, s1;
	s1 =	smul.u32 $0xC8000, s1  }
0xa: {  	s31 =	simm.s32 $0x4;
	_ =	strace $0x80000047;
	s6 =	smul.u32 $0x1900, s5  }
0xb: {  	s3 =	sadd.s32 $0x7400, s0;
	s8 =	sshrl.u32 s7, $0x1;
	s9 =	smul.u32 $0xC8000, s5  }
0xc: {  	s22 =	smul.u32 $0x640000, s5;
	s5 =	sadd.s32 $0x7500, s0;
	s10 =	sadd.s32 s10, s4  }
0xd: {  	s8 =	ssub.s32 s7, s8;
	s7 =	sadd.s32 $0x7700, s0;
	s25 =	sadd.s32 s1, s10  }
0xe: {  	s10 =	simm.s32 $0x2900;
	s1 =	simm.s32 $0x0;
	s6 =	sshrl.u32 s6, $0x3  }
0xf: {  	s11 =	sshrl.u32 s22, $0x3;
	s26 =	smax.u32 s8, $0x1;
	[dreg:$0x3] =	wrdreg s25  }
0x10: {  	s8 =	simm.s32 $0x3100;
	s22 =	simm.s32 $0x8900;
	s25 =	simm.s32 $0xA100  }
0x11: {  	[dreg:$0x8] =	wrdreg s1;
	s6 =	sadd.s32 s6, s0;
	s24 =	sadd.s32 s4, s11  }
0x12: {  	s4 =	sadd.s32 s4, s9;
	[dreg:$0x7] =	wrdreg s26;
	s9 =	simm.s32 $0x2100  }
0x13: {  	s11 =	simm.s32 $0x3900;
	s26 =	simm.s32 $0xA900;
	s23 =	sadd.s32 $0x1000, s6  }
0x14: {  	v2 =	vlaneseq.u32;
	s6 =	sadd.s32 $0x7600, s0;
	[dreg:$0x5] =	wrdreg s4;
	s0 =	sadd.s32 $0xC6C00, s24  }
0x15: {  	vm0 =	vmmov $0xffff;
	v1 =	vshrl.u32 v2, $0x3;
	s4 =	simm.s32 $0x4100;
	s24 =	simm.s32 $0x9900;
	[dreg:$0x4] =	wrdreg s23  }
0x16: {  	v0 =	vand.u32 $0x7, v2;
	v2 =	vor.u32 $0x8, v2;
	v1 =	vmul.u32 $0x8, v1;
	[dreg:$0x6] =	wrdreg s0;
	s23 =	simm.s32 $0x9100;
	s0 =	simm.s32 $0x1  }
.LBB2_1:
0x17: {  	s1 =	rddreg [dreg:$0x4]  }
0x18: {  	[tilespmem:s2], [sflag:$0x5] =	stream.linear.gather [hbm4b:s1+s2], $0x1900, $0x38;
	[tilespmem:$0x15900] =	vst v63  }
0x19: {  	s1 =	simm.s32 $0x5  }
0x1a: {  	_ =	swait.ge [sflag:s1], $0x1900  }
0x1b: {  	[sflag:s1] =	ssyncset.done $0x0  }
0x1c: {  	[sflag:s1] =	ssyncadd.s32 $0xFFFFE700  }
0x1d: {  	v3 =	vld [tilespmem:$0x0];
	_ =	sdelay $0x4  }
0x1e: {  	v4 =	vshll.u32 v3, $0x3  }
0x1f: {  	v3 =	vand.u32 $0x7, v3;
	v4 =	vand.u32 $0xFFFFFFC0, v4  }
0x20: {  	v3 =	vor.u32 v3, v4  }
0x21: {  	v4 =	vperm.xlane v3, v0;
	_ =	sdelay $0x1  }
0x22: {  	v4 =	vadd.s32 v1, v4;
	_ =	sdelay $0x4  }
0x23: {  	[tilespmem:s28], [sflag:$0x1] =	stream.indirect_vreg.gather [hbm4b:s3+s2], $0x80, v4, vm0, $0xb8;
	[tilespmem:$0x15900] =	vst v63  }
0x24: {  	v3 =	vperm.xlane v3, v2  }
0x25: {  	[tilespmem:s9], [sflag:$0x1] =	stream.indirect_vreg.gather [hbm4b:s5+s2], $0x80, v4, vm0, $0xb8;
	[tilespmem:$0x15900] =	vst v63  }
0x26: {  	v3 =	vadd.s32 v1, v3  }
0x27: {  	[tilespmem:s10], [sflag:$0x1] =	stream.indirect_vreg.gather [hbm4b:s6+s2], $0x80, v4, vm0, $0xb8;
	[tilespmem:$0x15900] =	vst v63  }
0x28: {  	_ = 	snop  }
0x29: {  	[tilespmem:s8], [sflag:$0x1] =	stream.indirect_vreg.gather [hbm4b:s7+s2], $0x80, v4, vm0, $0xb8;
	[tilespmem:$0x15900] =	vst v63  }
0x2a: {  	_ = 	snop  }
0x2b: {  	[tilespmem:s11], [sflag:$0x1] =	stream.indirect_vreg.gather [hbm4b:s3+s2], $0x80, v3, vm0, $0xb8;
	[tilespmem:$0x15900] =	vst v63  }
0x2c: {  	_ = 	snop  }
0x2d: {  	[tilespmem:s4], [sflag:$0x1] =	stream.indirect_vreg.gather [hbm4b:s5+s2], $0x80, v3, vm0, $0xb8;
	[tilespmem:$0x15900] =	vst v63  }
0x2e: {  	_ = 	snop  }
0x2f: {  	[tilespmem:s14], [sflag:$0x1] =	stream.indirect_vreg.gather [hbm4b:s6+s2], $0x80, v3, vm0, $0xb8;
	[tilespmem:$0x15900] =	vst v63  }
0x30: {  	_ = 	snop  }
0x31: {  	[tilespmem:s15], [sflag:$0x1] =	stream.indirect_vreg.gather [hbm4b:s7+s2], $0x80, v3, vm0, $0xb8;
	[tilespmem:$0x15900] =	vst v63  }
0x32: {  	v3 =	vld [tilespmem:$0x10];
	_ =	sdelay $0x4  }
0x33: {  	v59 =	vshll.u32 v3, $0x3  }
0x34: {  	v3 =	vand.u32 $0x7, v3;
	v4 =	vand.u32 $0xFFFFFFC0, v59  }
0x35: {  	v3 =	vor.u32 v3, v4  }
0x36: {  	v4 =	vperm.xlane v3, v0;
	_ =	sdelay $0x1  }
0x37: {  	v4 =	vadd.s32 v1, v4;
	_ =	sdelay $0x4  }
0x38: {  	[tilespmem:s16], [sflag:$0x1] =	stream.indirect_vreg.gather [hbm4b:s3+s2], $0x80, v4, vm0, $0xb8;
	[tilespmem:$0x15900] =	vst v63  }
0x39: {  	v3 =	vperm.xlane v3, v2  }
0x3a: {  	[tilespmem:s17], [sflag:$0x1] =	stream.indirect_vreg.gather [hbm4b:s5+s2], $0x80, v4, vm0, $0xb8;
	[tilespmem:$0x15900] =	vst v63  }
0x3b: {  	v3 =	vadd.s32 v1, v3  }
0x3c: {  	[tilespmem:s18], [sflag:$0x1] =	stream.indirect_vreg.gather [hbm4b:s6+s2], $0x80, v4, vm0, $0xb8;
	[tilespmem:$0x15900] =	vst v63  }
0x3d: {  	_ = 	snop  }
0x3e: {  	[tilespmem:s19], [sflag:$0x1] =	stream.indirect_vreg.gather [hbm4b:s7+s2], $0x80, v4, vm0, $0xb8;
	[tilespmem:$0x15900] =	vst v63  }
0x3f: {  	_ = 	snop  }
0x40: {  	[tilespmem:s20], [sflag:$0x1] =	stream.indirect_vreg.gather [hbm4b:s3+s2], $0x80, v3, vm0, $0xb8;
	[tilespmem:$0x15900] =	vst v63  }
0x41: {  	_ = 	snop  }
0x42: {  	[tilespmem:s21], [sflag:$0x1] =	stream.indirect_vreg.gather [hbm4b:s5+s2], $0x80, v3, vm0, $0xb8;
	[tilespmem:$0x15900] =	vst v63  }
0x43: {  	_ = 	snop  }
0x44: {  	[tilespmem:s22], [sflag:$0x1] =	stream.indirect_vreg.gather [hbm4b:s6+s2], $0x80, v3, vm0, $0xb8;
	[tilespmem:$0x15900] =	vst v63  }
0x45: {  	_ = 	snop  }
0x46: {  	[tilespmem:s23], [sflag:$0x1] =	stream.indirect_vreg.gather [hbm4b:s7+s2], $0x80, v3, vm0, $0xb8;
	[tilespmem:$0x15900] =	vst v63  }
0x47: {  	v3 =	vld.msk [tilespmem:$0x20], $0xff;
	_ =	sdelay $0x4  }
0x48: {  	v60 =	vshll.u32 v3, $0x3  }
0x49: {  	v3 =	vand.u32 $0x7, v3;
	v4 =	vand.u32 $0xFFFFFFC0, v60  }
0x4a: {  	v3 =	vor.u32 v3, v4  }
0x4b: {  	v3 =	vperm.xlane v3, v0;
	_ =	sdelay $0x1  }
0x4c: {  	v3 =	vadd.s32 v1, v3;
	_ =	sdelay $0x4  }
0x4d: {  	[tilespmem:s24], [sflag:$0x1] =	stream.indirect_vreg.gather [hbm4b:s3+s2], $0x80, v3, vm0, $0xb8;
	[tilespmem:$0x15900] =	vst v63  }
0x4e: {  	_ = 	snop  }
0x4f: {  	[tilespmem:s25], [sflag:$0x1] =	stream.indirect_vreg.gather [hbm4b:s5+s2], $0x80, v3, vm0, $0xb8;
	[tilespmem:$0x15900] =	vst v63  }
0x50: {  	_ = 	snop  }
0x51: {  	[tilespmem:s26], [sflag:$0x1] =	stream.indirect_vreg.gather [hbm4b:s6+s2], $0x80, v3, vm0, $0xb8;
	[tilespmem:$0x15900] =	vst v63  }
0x52: {  	_ = 	snop  }
0x53: {  	[tilespmem:s12], [sflag:$0x1] =	stream.indirect_vreg.gather [hbm4b:s7+s2], $0x80, v3, vm0, $0xb8;
	[tilespmem:$0x15900] =	vst v63  }
0x54: {  	_ =	swait.ge [sflag:s0], $0xA000  }
0x55: {  	[sflag:s0] =	ssyncset.done $0x0  }
0x56: {  	[sflag:s0] =	ssyncadd.s32 $0xFFFF6000  }
0x57: {  	v3 =	vld [tilespmem:$0x28];
	_ =	sdelay $0x4  }
0x58: {  	v61 =	vshll.u32 v3, $0x3  }
0x59: {  	v3 =	vand.u32 $0x7, v3;
	v4 =	vand.u32 $0xFFFFFFC0, v61  }
0x5a: {  	v3 =	vor.u32 v3, v4  }
0x5b: {  	v4 =	vperm.xlane v3, v0;
	_ =	sdelay $0x1  }
0x5c: {  	v4 =	vadd.s32 v1, v4;
	_ =	sdelay $0x4  }
0x5d: {  	[tilespmem:s13], [sflag:$0x2] =	stream.indirect_vreg.gather [hbm4b:s3+s2], $0x80, v4, vm0, $0xb8;
	[tilespmem:$0x15900] =	vst v63  }
0x5e: {  	s4 =	simm.s32 $0xC100;
	v3 =	vperm.xlane v3, v2  }
0x5f: {  	[tilespmem:s4], [sflag:$0x2] =	stream.indirect_vreg.gather [hbm4b:s5+s2], $0x80, v4, vm0, $0xb8;
	[tilespmem:$0x15900] =	vst v63  }
0x60: {  	s8 =	simm.s32 $0xC900;
	v3 =	vadd.s32 v1, v3  }
0x61: {  	[tilespmem:s8], [sflag:$0x2] =	stream.indirect_vreg.gather [hbm4b:s6+s2], $0x80, v4, vm0, $0xb8;
	[tilespmem:$0x15900] =	vst v63  }
0x62: {  	s11 =	simm.s32 $0xD100  }
0x63: {  	[tilespmem:s11], [sflag:$0x2] =	stream.indirect_vreg.gather [hbm4b:s7+s2], $0x80, v4, vm0, $0xb8;
	[tilespmem:$0x15900] =	vst v63  }
0x64: {  	s12 =	simm.s32 $0xD900  }
0x65: {  	[tilespmem:s12], [sflag:$0x2] =	stream.indirect_vreg.gather [hbm4b:s3+s2], $0x80, v3, vm0, $0xb8;
	[tilespmem:$0x15900] =	vst v63  }
0x66: {  	s13 =	simm.s32 $0xE100  }
0x67: {  	[tilespmem:s13], [sflag:$0x2] =	stream.indirect_vreg.gather [hbm4b:s5+s2], $0x80, v3, vm0, $0xb8;
	[tilespmem:$0x15900] =	vst v63  }
0x68: {  	s14 =	simm.s32 $0xE900  }
0x69: {  	[tilespmem:s14], [sflag:$0x2] =	stream.indirect_vreg.gather [hbm4b:s6+s2], $0x80, v3, vm0, $0xb8;
	[tilespmem:$0x15900] =	vst v63  }
0x6a: {  	s15 =	simm.s32 $0xF100  }
0x6b: {  	[tilespmem:s15], [sflag:$0x2] =	stream.indirect_vreg.gather [hbm4b:s7+s2], $0x80, v3, vm0, $0xb8;
	[tilespmem:$0x15900] =	vst v63  }
0x6c: {  	v3 =	vld [tilespmem:$0x38];
	_ =	sdelay $0x4  }
0x6d: {  	v62 =	vshll.u32 v3, $0x3  }
0x6e: {  	v3 =	vand.u32 $0x7, v3;
	v4 =	vand.u32 $0xFFFFFFC0, v62  }
0x6f: {  	v3 =	vor.u32 v3, v4  }
0x70: {  	v4 =	vperm.xlane v3, v0;
	_ =	sdelay $0x1  }
0x71: {  	v4 =	vadd.s32 v1, v4;
	_ =	sdelay $0x3  }
0x72: {  	s16 =	simm.s32 $0xF900  }
0x73: {  	[tilespmem:s16], [sflag:$0x2] =	stream.indirect_vreg.gather [hbm4b:s3+s2], $0x80, v4, vm0, $0xb8;
	[tilespmem:$0x15900] =	vst v63  }
0x74: {  	s17 =	simm.s32 $0x10100;
	v3 =	vperm.xlane v3, v2  }
0x75: {  	[tilespmem:s17], [sflag:$0x2] =	stream.indirect_vreg.gather [hbm4b:s5+s2], $0x80, v4, vm0, $0xb8;
	[tilespmem:$0x15900] =	vst v63  }
0x76: {  	s18 =	simm.s32 $0x10900;
	v3 =	vadd.s32 v1, v3  }
0x77: {  	[tilespmem:s18], [sflag:$0x2] =	stream.indirect_vreg.gather [hbm4b:s6+s2], $0x80, v4, vm0, $0xb8;
	[tilespmem:$0x15900] =	vst v63  }
0x78: {  	s19 =	simm.s32 $0x11100  }
0x79: {  	[tilespmem:s19], [sflag:$0x2] =	stream.indirect_vreg.gather [hbm4b:s7+s2], $0x80, v4, vm0, $0xb8;
	[tilespmem:$0x15900] =	vst v63  }
0x7a: {  	s20 =	simm.s32 $0x11900  }
0x7b: {  	[tilespmem:s20], [sflag:$0x2] =	stream.indirect_vreg.gather [hbm4b:s3+s2], $0x80, v3, vm0, $0xb8;
	[tilespmem:$0x15900] =	vst v63  }
0x7c: {  	s21 =	simm.s32 $0x12100  }
0x7d: {  	[tilespmem:s21], [sflag:$0x2] =	stream.indirect_vreg.gather [hbm4b:s5+s2], $0x80, v3, vm0, $0xb8;
	[tilespmem:$0x15900] =	vst v63  }
0x7e: {  	s22 =	simm.s32 $0x12900  }
0x7f: {  	[tilespmem:s22], [sflag:$0x2] =	stream.indirect_vreg.gather [hbm4b:s6+s2], $0x80, v3, vm0, $0xb8;
	[tilespmem:$0x15900] =	vst v63  }
0x80: {  	s23 =	simm.s32 $0x13100  }
0x81: {  	[tilespmem:s23], [sflag:$0x2] =	stream.indirect_vreg.gather [hbm4b:s7+s2], $0x80, v3, vm0, $0xb8;
	[tilespmem:$0x15900] =	vst v63  }
0x82: {  	v3 =	vld.msk [tilespmem:$0x48], $0xff;
	_ =	sdelay $0x4  }
0x83: {  	v63 =	vshll.u32 v3, $0x3  }
0x84: {  	v3 =	vand.u32 $0x7, v3;
	v4 =	vand.u32 $0xFFFFFFC0, v63  }
0x85: {  	v3 =	vor.u32 v3, v4  }
0x86: {  	v3 =	vperm.xlane v3, v0;
	_ =	sdelay $0x1  }
0x87: {  	v3 =	vadd.s32 v1, v3;
	_ =	sdelay $0x2  }
0x88: {  	s1 =	simm.s32 $0xFFF3A800;
	s24 =	simm.s32 $0x13900;
	s25 =	simm.s32 $0x14100  }
0x89: {  	s26 =	rddreg [dreg:$0x5];
	s4 =	simm.s32 $0x1900;
	s8 =	simm.s32 $0x98  }
0x8a: {  	[tilespmem:s24], [sflag:$0x2] =	stream.indirect_vreg.gather [hbm4b:s3+s2], $0x80, v3, vm0, $0xb8;
	[tilespmem:$0x15900] =	vst v63  }
0x8b: {  	s11 =	simm.s32 $0x3100;
	s12 =	simm.s32 $0xB100;
	s14 =	simm.s32 $0x4100  }
0x8c: {  	[tilespmem:s25], [sflag:$0x2] =	stream.indirect_vreg.gather [hbm4b:s5+s2], $0x80, v3, vm0, $0xb8;
	[tilespmem:$0x15900] =	vst v63  }
0x8d: {  	s16 =	simm.s32 $0x5100;
	s17 =	simm.s32 $0x14900;
	s18 =	simm.s32 $0x6100  }
0x8e: {  	[tilespmem:s17], [sflag:$0x2] =	stream.indirect_vreg.gather [hbm4b:s6+s2], $0x80, v3, vm0, $0xb8;
	[tilespmem:$0x15900] =	vst v63  }
0x8f: {  	s19 =	simm.s32 $0x15100;
	s20 =	simm.s32 $0x7100;
	s21 =	simm.s32 $0x7900  }
0x90: {  	[tilespmem:s19], [sflag:$0x2] =	stream.indirect_vreg.gather [hbm4b:s7+s2], $0x80, v3, vm0, $0xb8;
	[tilespmem:$0x15900] =	vst v63  }
0x91: {  	s22 =	simm.s32 $0x8100;
	s23 =	simm.s32 $0x8900;
	s24 =	simm.s32 $0x9100  }
0x92: {  	[hbm4b:s26+s2] =	stream.linear.scatter [tilespmem:s28], [sflag:$0x3], $0xA000, $0x38;
	[tilespmem:$0x15900] =	vst v63  }
0x93: {  	s25 =	simm.s32 $0x9900;
	s28 =	simm.s32 $0xA900;
	s26 =	simm.s32 $0xA100  }
.LBB2_2:
0x94: {  	_ =	swait.ge [sflag:s29], $0xA000  }
0x95: {  	[sflag:s29] =	ssyncset.done $0x0  }
0x96: {  	[sflag:s29] =	ssyncadd.s32 $0xFFFF6000  }
0x97: {  	_ =	swait.ge [sflag:s30], $0xA000  }
0x98: {  	[sflag:s30] =	ssyncset.done $0x0  }
0x99: {  	[sflag:s30] =	ssyncadd.s32 $0xFFFF6000  }
0x9a: {  	v3 =	vld [tilespmem:s8+$0xFFFFFFB8];
	_ =	sdelay $0x4  }
0x9b: {  	v4 =	vshll.u32 v3, $0x3  }
0x9c: {  	v3 =	vand.u32 $0x7, v3;
	v4 =	vand.u32 $0xFFFFFFC0, v4  }
0x9d: {  	v3 =	vor.u32 v3, v4  }
0x9e: {  	v4 =	vperm.xlane v3, v0;
	_ =	sdelay $0x1  }
0x9f: {  	v4 =	vadd.s32 v1, v4;
	_ =	sdelay $0x4  }
0xa0: {  	[tilespmem:s4], [sflag:$0x1] =	stream.indirect_vreg.gather [hbm4b:s3+s2], $0x80, v4, vm0, $0xb8;
	[tilespmem:$0x15900] =	vst v63  }
0xa1: {  	v3 =	vperm.xlane v3, v2  }
0xa2: {  	[tilespmem:s9], [sflag:$0x1] =	stream.indirect_vreg.gather [hbm4b:s5+s2], $0x80, v4, vm0, $0xb8;
	[tilespmem:$0x15900] =	vst v63  }
0xa3: {  	v3 =	vadd.s32 v1, v3  }
0xa4: {  	[tilespmem:s10], [sflag:$0x1] =	stream.indirect_vreg.gather [hbm4b:s6+s2], $0x80, v4, vm0, $0xb8;
	[tilespmem:$0x15900] =	vst v63  }
0xa5: {  	_ = 	snop  }
0xa6: {  	[tilespmem:s11], [sflag:$0x1] =	stream.indirect_vreg.gather [hbm4b:s7+s2], $0x80, v4, vm0, $0xb8;
	[tilespmem:$0x15900] =	vst v63  }
0xa7: {  	s15 =	simm.s32 $0x3900  }
0xa8: {  	[tilespmem:s15], [sflag:$0x1] =	stream.indirect_vreg.gather [hbm4b:s3+s2], $0x80, v3, vm0, $0xb8;
	[tilespmem:$0x15900] =	vst v63  }
0xa9: {  	_ = 	snop  }
0xaa: {  	[tilespmem:s14], [sflag:$0x1] =	stream.indirect_vreg.gather [hbm4b:s5+s2], $0x80, v3, vm0, $0xb8;
	[tilespmem:$0x15900] =	vst v63  }
0xab: {  	s10 =	simm.s32 $0x4900  }
0xac: {  	[tilespmem:s10], [sflag:$0x1] =	stream.indirect_vreg.gather [hbm4b:s6+s2], $0x80, v3, vm0, $0xb8;
	[tilespmem:$0x15900] =	vst v63  }
0xad: {  	_ = 	snop  }
0xae: {  	[tilespmem:s16], [sflag:$0x1] =	stream.indirect_vreg.gather [hbm4b:s7+s2], $0x80, v3, vm0, $0xb8;
	[tilespmem:$0x15900] =	vst v63  }
0xaf: {  	v3 =	vld [tilespmem:s8+$0xFFFFFFC8];
	_ =	sdelay $0x4  }
0xb0: {  	v59 =	vshll.u32 v3, $0x3  }
0xb1: {  	v3 =	vand.u32 $0x7, v3;
	v4 =	vand.u32 $0xFFFFFFC0, v59  }
0xb2: {  	v3 =	vor.u32 v3, v4  }
0xb3: {  	v4 =	vperm.xlane v3, v0;
	_ =	sdelay $0x1  }
0xb4: {  	v4 =	vadd.s32 v1, v4;
	_ =	sdelay $0x3  }
0xb5: {  	s13 =	simm.s32 $0x5900  }
0xb6: {  	[tilespmem:s13], [sflag:$0x1] =	stream.indirect_vreg.gather [hbm4b:s3+s2], $0x80, v4, vm0, $0xb8;
	[tilespmem:$0x15900] =	vst v63  }
0xb7: {  	v3 =	vperm.xlane v3, v2  }
0xb8: {  	[tilespmem:s18], [sflag:$0x1] =	stream.indirect_vreg.gather [hbm4b:s5+s2], $0x80, v4, vm0, $0xb8;
	[tilespmem:$0x15900] =	vst v63  }
0xb9: {  	s15 =	simm.s32 $0x6900;
	v3 =	vadd.s32 v1, v3  }
0xba: {  	[tilespmem:s15], [sflag:$0x1] =	stream.indirect_vreg.gather [hbm4b:s6+s2], $0x80, v4, vm0, $0xb8;
	[tilespmem:$0x15900] =	vst v63  }
0xbb: {  	_ = 	snop  }
0xbc: {  	[tilespmem:s20], [sflag:$0x1] =	stream.indirect_vreg.gather [hbm4b:s7+s2], $0x80, v4, vm0, $0xb8;
	[tilespmem:$0x15900] =	vst v63  }
0xbd: {  	_ = 	snop  }
0xbe: {  	[tilespmem:s21], [sflag:$0x1] =	stream.indirect_vreg.gather [hbm4b:s3+s2], $0x80, v3, vm0, $0xb8;
	[tilespmem:$0x15900] =	vst v63  }
0xbf: {  	_ = 	snop  }
0xc0: {  	[tilespmem:s22], [sflag:$0x1] =	stream.indirect_vreg.gather [hbm4b:s5+s2], $0x80, v3, vm0, $0xb8;
	[tilespmem:$0x15900] =	vst v63  }
0xc1: {  	_ = 	snop  }
0xc2: {  	[tilespmem:s23], [sflag:$0x1] =	stream.indirect_vreg.gather [hbm4b:s6+s2], $0x80, v3, vm0, $0xb8;
	[tilespmem:$0x15900] =	vst v63  }
0xc3: {  	_ = 	snop  }
0xc4: {  	[tilespmem:s24], [sflag:$0x1] =	stream.indirect_vreg.gather [hbm4b:s7+s2], $0x80, v3, vm0, $0xb8;
	[tilespmem:$0x15900] =	vst v63  }
0xc5: {  	v3 =	vld.msk [tilespmem:s8+$0xFFFFFFD8], $0xff;
	_ =	sdelay $0x4  }
0xc6: {  	v60 =	vshll.u32 v3, $0x3  }
0xc7: {  	v3 =	vand.u32 $0x7, v3;
	v4 =	vand.u32 $0xFFFFFFC0, v60  }
0xc8: {  	v3 =	vor.u32 v3, v4  }
0xc9: {  	v3 =	vperm.xlane v3, v0;
	_ =	sdelay $0x1  }
0xca: {  	v3 =	vadd.s32 v1, v3;
	_ =	sdelay $0x4  }
0xcb: {  	[tilespmem:s25], [sflag:$0x1] =	stream.indirect_vreg.gather [hbm4b:s3+s2], $0x80, v3, vm0, $0xb8;
	[tilespmem:$0x15900] =	vst v63  }
0xcc: {  	_ = 	snop  }
0xcd: {  	[tilespmem:s26], [sflag:$0x1] =	stream.indirect_vreg.gather [hbm4b:s5+s2], $0x80, v3, vm0, $0xb8;
	[tilespmem:$0x15900] =	vst v63  }
0xce: {  	s10 =	rddreg [dreg:$0x3]  }
0xcf: {  	[tilespmem:s28], [sflag:$0x1] =	stream.indirect_vreg.gather [hbm4b:s6+s2], $0x80, v3, vm0, $0xb8;
	[tilespmem:$0x15900] =	vst v63  }
0xd0: {  	s9 =	sadd.s32 s1, s10  }
0xd1: {  	[tilespmem:s12], [sflag:$0x1] =	stream.indirect_vreg.gather [hbm4b:s7+s2], $0x80, v3, vm0, $0xb8;
	[tilespmem:$0x15900] =	vst v63  }
0xd2: {  	s13 =	sadd.s32 $0xC6C00, s9;
	s15 =	simm.s32 $0xB900  }
0xd3: {  	[hbm4b:s13+s2] =	stream.linear.scatter [tilespmem:s15], [sflag:$0x4], $0xA000, $0x38;
	[tilespmem:$0x15900] =	vst v63  }
0xd4: {  	_ =	swait.ge [sflag:s0], $0xA000  }
0xd5: {  	[sflag:s0] =	ssyncset.done $0x0  }
0xd6: {  	[sflag:s0] =	ssyncadd.s32 $0xFFFF6000  }
0xd7: {  	_ =	swait.ge [sflag:s31], $0xA000  }
0xd8: {  	[sflag:s31] =	ssyncset.done $0x0  }
0xd9: {  	[sflag:s31] =	ssyncadd.s32 $0xFFFF6000  }
0xda: {  	v3 =	vld [tilespmem:s8+$0xFFFFFFE0];
	_ =	sdelay $0x4  }
0xdb: {  	v61 =	vshll.u32 v3, $0x3  }
0xdc: {  	v3 =	vand.u32 $0x7, v3;
	v4 =	vand.u32 $0xFFFFFFC0, v61  }
0xdd: {  	v3 =	vor.u32 v3, v4  }
0xde: {  	v4 =	vperm.xlane v3, v0;
	_ =	sdelay $0x1  }
0xdf: {  	v4 =	vadd.s32 v1, v4;
	_ =	sdelay $0x4  }
0xe0: {  	[tilespmem:s15], [sflag:$0x2] =	stream.indirect_vreg.gather [hbm4b:s3+s2], $0x80, v4, vm0, $0xb8;
	[tilespmem:$0x15900] =	vst v63  }
0xe1: {  	v3 =	vperm.xlane v3, v2;
	s15 =	simm.s32 $0xC100  }
0xe2: {  	[tilespmem:s15], [sflag:$0x2] =	stream.indirect_vreg.gather [hbm4b:s5+s2], $0x80, v4, vm0, $0xb8;
	[tilespmem:$0x15900] =	vst v63  }
0xe3: {  	v3 =	vadd.s32 v1, v3;
	s15 =	simm.s32 $0xC900  }
0xe4: {  	[tilespmem:s15], [sflag:$0x2] =	stream.indirect_vreg.gather [hbm4b:s6+s2], $0x80, v4, vm0, $0xb8;
	[tilespmem:$0x15900] =	vst v63  }
0xe5: {  	s15 =	simm.s32 $0xD100  }
0xe6: {  	[tilespmem:s15], [sflag:$0x2] =	stream.indirect_vreg.gather [hbm4b:s7+s2], $0x80, v4, vm0, $0xb8;
	[tilespmem:$0x15900] =	vst v63  }
0xe7: {  	s15 =	simm.s32 $0xD900  }
0xe8: {  	[tilespmem:s15], [sflag:$0x2] =	stream.indirect_vreg.gather [hbm4b:s3+s2], $0x80, v3, vm0, $0xb8;
	[tilespmem:$0x15900] =	vst v63  }
0xe9: {  	s15 =	simm.s32 $0xE100  }
0xea: {  	[tilespmem:s15], [sflag:$0x2] =	stream.indirect_vreg.gather [hbm4b:s5+s2], $0x80, v3, vm0, $0xb8;
	[tilespmem:$0x15900] =	vst v63  }
0xeb: {  	s15 =	simm.s32 $0xE900  }
0xec: {  	[tilespmem:s15], [sflag:$0x2] =	stream.indirect_vreg.gather [hbm4b:s6+s2], $0x80, v3, vm0, $0xb8;
	[tilespmem:$0x15900] =	vst v63  }
0xed: {  	s15 =	simm.s32 $0xF100  }
0xee: {  	[tilespmem:s15], [sflag:$0x2] =	stream.indirect_vreg.gather [hbm4b:s7+s2], $0x80, v3, vm0, $0xb8;
	[tilespmem:$0x15900] =	vst v63  }
0xef: {  	v3 =	vld [tilespmem:s8+$0xFFFFFFF0];
	_ =	sdelay $0x4  }
0xf0: {  	v62 =	vshll.u32 v3, $0x3  }
0xf1: {  	v3 =	vand.u32 $0x7, v3;
	v4 =	vand.u32 $0xFFFFFFC0, v62  }
0xf2: {  	v3 =	vor.u32 v3, v4  }
0xf3: {  	v4 =	vperm.xlane v3, v0;
	_ =	sdelay $0x1  }
0xf4: {  	v4 =	vadd.s32 v1, v4;
	_ =	sdelay $0x3  }
0xf5: {  	s15 =	simm.s32 $0xF900  }
0xf6: {  	[tilespmem:s15], [sflag:$0x2] =	stream.indirect_vreg.gather [hbm4b:s3+s2], $0x80, v4, vm0, $0xb8;
	[tilespmem:$0x15900] =	vst v63  }
0xf7: {  	v3 =	vperm.xlane v3, v2;
	s15 =	simm.s32 $0x10100  }
0xf8: {  	[tilespmem:s15], [sflag:$0x2] =	stream.indirect_vreg.gather [hbm4b:s5+s2], $0x80, v4, vm0, $0xb8;
	[tilespmem:$0x15900] =	vst v63  }
0xf9: {  	v3 =	vadd.s32 v1, v3;
	s15 =	simm.s32 $0x10900  }
0xfa: {  	[tilespmem:s15], [sflag:$0x2] =	stream.indirect_vreg.gather [hbm4b:s6+s2], $0x80, v4, vm0, $0xb8;
	[tilespmem:$0x15900] =	vst v63  }
0xfb: {  	s15 =	simm.s32 $0x11100  }
0xfc: {  	[tilespmem:s15], [sflag:$0x2] =	stream.indirect_vreg.gather [hbm4b:s7+s2], $0x80, v4, vm0, $0xb8;
	[tilespmem:$0x15900] =	vst v63  }
0xfd: {  	s15 =	simm.s32 $0x11900  }
0xfe: {  	[tilespmem:s15], [sflag:$0x2] =	stream.indirect_vreg.gather [hbm4b:s3+s2], $0x80, v3, vm0, $0xb8;
	[tilespmem:$0x15900] =	vst v63  }
0xff: {  	s15 =	simm.s32 $0x12100  }
0x100: {  	[tilespmem:s15], [sflag:$0x2] =	stream.indirect_vreg.gather [hbm4b:s5+s2], $0x80, v3, vm0, $0xb8;
	[tilespmem:$0x15900] =	vst v63  }
0x101: {  	s15 =	simm.s32 $0x12900  }
0x102: {  	[tilespmem:s15], [sflag:$0x2] =	stream.indirect_vreg.gather [hbm4b:s6+s2], $0x80, v3, vm0, $0xb8;
	[tilespmem:$0x15900] =	vst v63  }
0x103: {  	s15 =	simm.s32 $0x13100  }
0x104: {  	[tilespmem:s15], [sflag:$0x2] =	stream.indirect_vreg.gather [hbm4b:s7+s2], $0x80, v3, vm0, $0xb8;
	[tilespmem:$0x15900] =	vst v63  }
0x105: {  	v3 =	vld.msk [tilespmem:s8+$0x0], $0xff;
	_ =	sdelay $0x4  }
0x106: {  	v63 =	vshll.u32 v3, $0x3  }
0x107: {  	v3 =	vand.u32 $0x7, v3;
	v4 =	vand.u32 $0xFFFFFFC0, v63  }
0x108: {  	v3 =	vor.u32 v3, v4  }
0x109: {  	v3 =	vperm.xlane v3, v0;
	_ =	sdelay $0x1  }
0x10a: {  	v3 =	vadd.s32 v1, v3;
	_ =	sdelay $0x3  }
0x10b: {  	s15 =	simm.s32 $0x13900  }
0x10c: {  	[tilespmem:s15], [sflag:$0x2] =	stream.indirect_vreg.gather [hbm4b:s3+s2], $0x80, v3, vm0, $0xb8;
	[tilespmem:$0x15900] =	vst v63  }
0x10d: {  	s15 =	simm.s32 $0x14100  }
0x10e: {  	[tilespmem:s15], [sflag:$0x2] =	stream.indirect_vreg.gather [hbm4b:s5+s2], $0x80, v3, vm0, $0xb8;
	[tilespmem:$0x15900] =	vst v63  }
0x10f: {  	p0 =	sne.s32 s1, $0xFFFFD800  }
0x110: {  	[tilespmem:s17], [sflag:$0x2] =	stream.indirect_vreg.gather [hbm4b:s6+s2], $0x80, v3, vm0, $0xb8;
	[tilespmem:$0x15900] =	vst v63  }
.Ltmp0:
0x111: {  	_ = 	snop;
	(pc) =	sbr.rel @p0 .LBB2_2-.Ltmp0, $4  }
0x112: {  	[tilespmem:s19], [sflag:$0x2] =	stream.indirect_vreg.gather [hbm4b:s7+s2], $0x80, v3, vm0, $0xb8;
	[tilespmem:$0x15900] =	vst v63  }
0x113: {  	s10 =	simm.s32 $0x2900;
	s1 =	sadd.s32 $0x2800, s1;
	s9 =	sadd.s32 $0xC8000, s9  }
0x114: {  	[hbm4b:s9+s2] =	stream.linear.scatter [tilespmem:s4], [sflag:$0x3], $0xA000, $0x38;
	[tilespmem:$0x15900] =	vst v63  }
0x115: {  	s13 =	simm.s32 $0xB900;
	s8 =	sadd.s32 $0x50, s8;
	s9 =	simm.s32 $0x2100  }
0x116: {  	_ =	swait.ge [sflag:s29], $0xA000  }
0x117: {  	[sflag:s29] =	ssyncset.done $0x0  }
0x118: {  	[sflag:s29] =	ssyncadd.s32 $0xFFFF6000  }
0x119: {  	_ =	swait.ge [sflag:s30], $0xA000  }
0x11a: {  	[sflag:s30] =	ssyncset.done $0x0  }
0x11b: {  	s1 =	rddreg [dreg:$0x6];
	[sflag:s30] =	ssyncadd.s32 $0xFFFF6000  }
0x11c: {  	[hbm4b:s1+s2] =	stream.linear.scatter [tilespmem:s13], [sflag:$0x4], $0xA000, $0x38;
	[tilespmem:$0x15900] =	vst v63  }
0x11d: {  	s8 =	simm.s32 $0x3100;
	s11 =	simm.s32 $0x3900;
	_ =	swait.ge [sflag:s31], $0xA000  }
0x11e: {  	s14 =	simm.s32 $0x4900;
	s15 =	simm.s32 $0x5100;
	s4 =	rddreg [dreg:$0x8]  }
0x11f: {  	s16 =	simm.s32 $0x5900;
	s26 =	rddreg [dreg:$0x7];
	s4 =	sadd.s32 $0x1, s4  }
0x120: {  	s17 =	simm.s32 $0x6100;
	s18 =	simm.s32 $0x6900;
	p0 =	sne.s32 s4, s26  }
.Ltmp1:
0x121: {  	s19 =	simm.s32 $0x7100;
	s20 =	simm.s32 $0x7900;
	(pc) =	sbr.rel @p0 .LBB2_1-.Ltmp1, $4  }
0x122: {  	s21 =	simm.s32 $0x8100;
	s22 =	simm.s32 $0x8900;
	s23 =	simm.s32 $0x9100  }
0x123: {  	s24 =	simm.s32 $0x9900;
	s25 =	simm.s32 $0xA100;
	[sflag:s31] =	ssyncset.done $0x0  }
0x124: {  	s12 =	simm.s32 $0xB100;
	s28 =	simm.s32 $0x1900;
	[sflag:s31] =	ssyncadd.s32 $0xFFFF6000  }
0x125: {  	[dreg:$0x8] =	wrdreg s4;
	s4 =	simm.s32 $0x4100;
	s26 =	simm.s32 $0xA900  }
0x126: {  	_ =	sfence.sel $0x180000  }
0x127: {  	[bflag:$0x0] =	sbarrier.arrive $0xFFFF  }
0x128: {  	_ =	strace $0x90000047  }
0x129: {  	s0 =	stileid.u32;
	[bflag:$0x2] =	sbarrier.arrive $0xFFFF  }
0x12a: {  	p0 =	sne.s32 s0, $0x0;
	s0 =	rddreg [dreg:$0x2]  }
0x12b: {  	s0 =	sadd.s32 @!p0 $0x100000, s0  }
0x12c: {  	[sflag:s0] =	ssyncadd.tile.s32 @!p0 $0x1;
	_ =	shalt  }
.Lfunc_end2:
_tile_overlayer_lowered:
.L_overlay_start_2:
0x12d: {  	(tag) =	ssettag $0x2  }
0x12e: {  	s0 =	rddreg [dreg:$0x0];
	s2 =	stileid.u32  }
0x12f: {  	s1 =	rddreg [dreg:$0x1];
	p0 =	sne.s32 s2, $0x0  }
0x130: {  	s3 =	rddreg [dreg:$0x2];
	[bflag:$0x3] =	sbarrier.arrive $0xFFFF;
	s2 =	simm.s32 @!p0 $0x1C05  }
0x131: {  	[timem:s3], [sflag:s2] =	dma.local @!p0 [hbm:s0], s1  }
0x132: {  	s0 =	simm.s32 @!p0 $0x5  }
0x133: {  	_ =	swait.ge @!p0 [sflag:s0], s1  }
0x134: {  	s1 =	ssub.s32 @!p0 $0x0, s1;
	[sflag:s0] =	ssyncset.done @!p0 $0x0  }
0x135: {  	[sflag:s0] =	ssyncadd.s32 @!p0 s1  }
0x136: {  	[bflag:$0x3] =	sbarrier.arrive $0xFFFF  }
0x137: {  	_ =	shalt  }

// kernel: sparse-core-data-format-call.cloned.1.call-start
scs
called_computation_lowered:
.L_overlay_start_0:
0x0: {  	s2 =	sld [smem:$0x3FD9]  }
0x1: {  	s3 =	sld [smem:$0x3FFE];
	_ =	sdelay $0x1  }
0x2: {  	s1 =	srdreg.scid  }
0x3: {  	s0 =	sand.u32 $0x1, s1  }
0x4: {  	s18 =	sshll.u32 s0, $0xA;
	s2 =	sadd.s32 s3, s2  }
0x5: {  	s2 =	sadd.s32 s2, s18  }
0x6: {  	[smem:$0x3FC4] =	sst s2  }
0x7: {  	_ = 	snop  }
0x8: {  	s2 =	sld [smem:$0x3FD0];
	(tm) =	ssettm $0x1  }
0x9: {  	s19 =	sld [smem:$0x3FFB];
	_ =	sdelay $0x3  }
0xa: {  	_ =	strace s19  }
0xb: {  	s3 =	sld [smem:$0x3FFC];
	_ =	sdelay $0x3  }
0xc: {  	_ =	strace s3  }
0xd: {  	s3 =	sld [smem:$0x3FFD];
	_ =	sdelay $0x3  }
0xe: {  	_ =	strace s3  }
0xf: {  	_ =	strace $0x8FFFFFFF  }
0x10: {  	s20 =	sld [smem:$0x3FDB];
	_ =	sdelay $0x1  }
0x11: {  	s4 =	simm.s32 $_scs_section_size  }
0x12: {  	s5 =	simm.s32 $_size__tile_overlayer_lowered;
	s6 =	simm.s32 $_tile_overlayer_lowered  }
0x13: {  	s23 =	simm.s32 $0x1BFF;
	s22 =	sshll.u32 s6, $0x1;
	s3 =	sadd.s32 s4, s20  }
0x14: {  	s7 =	simm.s32 $0x0;
	s21 =	sshll.u32 s5, $0x1;
	s5 =	sadd.s32 s22, s3  }
0x15: {  	[timem:s7], [sflag:s23] =	dma.local [hbm:s5], s21  }
0x16: {  	_ =	swait.ge [sflag:s23], s21  }
0x17: {  	s4 =	ssub.s32 $0x0, s21;
	[sflag:s23] =	ssyncset.done $0x0  }
0x18: {  	[sflag:s23] =	ssyncadd.s32 s4;
	_ =	sdelay $0x1  }
0x19: {  	s24 =	simm.s32 $0x1B8B  }
0x1a: {  	_ =	swait.ge [sflag:s24], $0x1  }
0x1b: {  	[sflag:s24] =	ssyncset.done $0x0  }
0x1c: {  	s26 =	simm.s32 $0x1B8E;
	s25 =	sld [smem:$0x3FFE];
	[sflag:s24] =	ssyncadd.s32 $0xFFFFFFFF  }
0x1d: {  	s27 =	simm.s32 $execute0_lowered;
	[smem:$0x3FD2] =	sst s26  }
0x1e: {  	s5 =	sshll.u32 s27, $0x1;
	_ =	strace $0x80000049;
	[dreg:$0x1] =	wrdreg $0xFFFFFFFF  }
0x1f: {  	s28 =	simm.s32 $_size_execute0_lowered;
	s3 =	sadd.s32 s3, s5;
	[dreg:$0x0] =	wrdreg $0x0  }
0x20: {  	s5 =	sshll.u32 s28, $0x1;
	[dreg:$0x2] =	wrdreg s3  }
0x21: {  	[dreg:$0x3] =	wrdreg s5  }
0x22: {  	[dreg:$0x4] =	wrdreg $0xC0  }
0x23: {  	_ =	task [dreg:s7], $0x5FFFF  }
0x24: {  	[dreg:$0x1] =	wrdreg $0xFFFFFFFF  }
0x25: {  	[dreg:$0x0] =	wrdreg $0x60  }
0x26: {  	[dreg:$0x2] =	wrdreg s25  }
0x27: {  	[dreg:$0x3] =	wrdreg s2  }
0x28: {  	[dreg:$0x4] =	wrdreg $0x9  }
0x29: {  	_ =	task.clear_ibuf [dreg:s7], $0x5FFFF;
	_ =	strace $0x90000049  }
0x2a: {  	s29 =	simm.s32 $0x9;
	_ =	strace $0x8000004B  }
0x2b: {  	_ =	swait.ge [sflag:s29], $0x1  }
0x2c: {  	[sflag:s29] =	ssyncadd.s32 $0xFFFFFFFF  }
0x2d: {  	_ =	strace $0x9000004B  }
0x2e: {  	_ =	sfence  }
0x2f: {  	s30 =	sld [smem:$0x0];
	_ =	sdelay $0x2  }
0x30: {  	s31 =	sshll.u32 s1, $0xD;
	s1 =	sshrl.u32 s1, $0x2  }
0x31: {  	s3 =	sand.u32 $0x4000, s31;
	s1 =	sadd.s32 s1, s30  }
0x32: {  	s0 =	sor.u32 s3, s0;
	s1 =	sshll.u32 s1, $0x11  }
0x33: {  	s0 =	sor.u32 s1, s0  }
0x34: {  	s0 =	sadd.s32 $0x8F2B, s0  }
0x35: {  	[sflag:s0] =	ssyncadd.remote.s32 $0x1  }
0x36: {  	_ =	sfence.sel $0xFFFF  }
0x37: {  	[dreg:$0x0] =	wrdreg $0xFFFFFFFF;
	(pc) =	sbr.abs _section_cstart, $3  }
0x38: {  	[dreg:$0x1] =	wrdreg $0xFFFFFFFF  }
0x39: {  	_ =	task.clear_ibuf [dreg:s7], $0x2FFFF;
	_ =	strace $0x9FFFFFFF  }
0x3a: {  	(tm) =	ssettm $0x7FFFFFFF  }
0x3b: {  	_ =	shalt  }
tec
execute0_lowered:
.L_overlay_start_1:
0x0: {  	(tag) =	ssettag $0x1  }
0x1: {  	s0 =	srdreg.scid  }
0x2: {  	s1 =	sshll.u32 s0, $0x4  }
0x3: {  	s6 =	rddreg [dreg:$0x0];
	s0 =	stileid.u32;
	s1 =	sand.u32 $0x10, s1  }
0x4: {  	s3 =	rddreg [dreg:$0x1];
	s1 =	sor.u32 s0, s1  }
0x5: {  	s5 =	simm.s32 $0x1;
	s31 =	simm.s32 $0x2;
	s2 =	sshll.u32 s1, $0x7  }
0x6: {  	s14 =	simm.s32 $0x0;
	s8 =	simm.s32 $0x2000;
	s4 =	ssub.s32 $0x1000, s2  }
0x7: {  	s9 =	simm.s32 $0x0;
	s15 =	simm.s32 $0x0;
	s30 =	sand.u32 $0xF80, s4  }
0x8: {  	s16 =	simm.s32 $0x0;
	s10 =	simm.s32 $0x0;
	p0 =	sne.s32 s30, $0x0  }
.Ltmp0:
0x9: {  	s7 =	sshrl.u32 s4, $0xC;
	s5 =	simm.s32 @!p0 $0x0;
	(pc) =	sbr.rel .LBB1_1-.Ltmp0, $4  }
0xa: {  	s11 =	simm.s32 $0x0;
	s1 =	rddreg [dreg:$0x2];
	s5 =	sadd.s32 s5, s7  }
0xb: {  	_ =	strace $0x8000004A;
	s4 =	simm.s32 $0x1;
	s5 =	smul.u32 $0x190, s5  }
0xc: {  	s13 =	simm.s32 $0x0;
	s6 =	sadd.s32 $0x1000, s6;
	[sflag:s4] =	ssyncpa.u1 $0x0  }
0xd: {  	s12 =	smov.u32 s2;
	[sflag:s31] =	ssyncpa.u1 $0x0;
	s7 =	sor.u32 $0x1, s5  }
.LBB1_4:
0xe: {  	_ =	sdelay $0x3  }
0xf: {  	[tilespmem:v0+s19+$0xFFFFFFD0 ss:$0x1] =	vst.idx.msk $0xffff, v6  }
0x10: {  	v56 =	vld.idx.msk [tilespmem:v1+s18+$0x0 ss:$0x1], $0xffff;
	[tilespmem:v0+s19+$0xFFFFFFE0 ss:$0x1] =	vst.idx.msk $0xffff, v4  }
0x11: {  	v57 =	vld.idx.msk [tilespmem:v1+s18+$0xFFFFFF90 ss:$0x1], $0xffff;
	[tilespmem:v0+s19+$0xFFFFFFF0 ss:$0x1] =	vst.idx.msk $0xffff, v2  }
0x12: {  	v58 =	vld.idx.msk [tilespmem:v1+s18+$0xFFFFFFA0 ss:$0x1], $0xffff;
	[tilespmem:v0+s19+$0x0 ss:$0x1] =	vst.idx.msk $0xffff, v3  }
0x13: {  	v59 =	vld.idx.msk [tilespmem:v1+s18+$0xFFFFFFB0 ss:$0x1], $0xffff;
	[tilespmem:v0+s19+$0x10 ss:$0x1] =	vst.idx.msk $0xffff, v5  }
0x14: {  	v60 =	vld.idx.msk [tilespmem:v1+s18+$0xFFFFFFC0 ss:$0x1], $0xffff;
	[tilespmem:v0+s19+$0x20 ss:$0x1] =	vst.idx.msk $0xffff, v7  }
0x15: {  	v61 =	vld.idx.msk [tilespmem:v1+s18+$0xFFFFFFD0 ss:$0x1], $0xffff;
	[tilespmem:v0+s18+$0x30 ss:$0x1] =	vst.idx.msk $0xffff, v56  }
0x16: {  	v62 =	vld.idx.msk [tilespmem:v1+s18+$0xFFFFFFE0 ss:$0x1], $0xffff;
	[tilespmem:v0+s18+$0xFFFFFFC0 ss:$0x1] =	vst.idx.msk $0xffff, v57  }
0x17: {  	v63 =	vld.idx.msk [tilespmem:v1+s18+$0xFFFFFFF0 ss:$0x1], $0xffff;
	s16 =	sshll.u32 s16, $0x7;
	[tilespmem:v0+s18+$0xFFFFFFD0 ss:$0x1] =	vst.idx.msk $0xffff, v58  }
0x18: {  	s30 =	sand.u32 $0x78, s14;
	s15 =	sshll.u32 s15, $0x13;
	s20 =	sand.u32 $0x380, s16;
	[tilespmem:v0+s18+$0xFFFFFFE0 ss:$0x1] =	vst.idx.msk $0xffff, v59  }
0x19: {  	s31 =	sand.u32 $0x7, s14;
	s16 =	sand.u32 $0x7FC00, s16;
	s19 =	sor.u32 s20, s30;
	[tilespmem:v0+s18+$0xFFFFFFF0 ss:$0x1] =	vst.idx.msk $0xffff, v60  }
0x1a: {  	s15 =	sadd.s32 s3, s15;
	s16 =	sadd.s32 s14, s16;
	s19 =	sshrl.u32 s19, $0x3;
	[tilespmem:v0+s18+$0x0 ss:$0x1] =	vst.idx.msk $0xffff, v61  }
0x1b: {  	s14 =	sshll.u32 s31, $0x12;
	s16 =	sand.u32 $0x7FF80, s16;
	s15 =	sadd.s32 s19, s15;
	[tilespmem:v0+s18+$0x10 ss:$0x1] =	vst.idx.msk $0xffff, v62  }
0x1c: {  	s14 =	sor.u32 $0x400, s14;
	[tilespmem:v0+s18+$0x20 ss:$0x1] =	vst.idx.msk $0xffff, v63;
	s15 =	sadd.s32 s16, s15  }
0x1d: {  	[hbm4b:s15+s14] =	stream.strided.scatter [tilespmem:s17], [sflag:$0x2], $0x4000, s8, s14, $0x38;
	[tilespmem:$0x10000] =	vst v63  }
.LBB1_5:
0x1e: {  	s17 =	sadd.s32 $0x80, s10  }
0x1f: {  	s14 =	simm.s32 $0x1;
	p1 =	sgt.s32 s17, $0x3FF  }
0x20: {  	s14 =	simm.s32 @!p1 $0x0  }
0x21: {  	s18 =	sadd.s32 s14, s11  }
0x22: {  	s20 =	smov.u32 s12;
	s14 =	sadd.s32 $0x1000, s12;
	p2 =	sgt.s32 s18, $0x31  }
0x23: {  	s20 =	smov.u32 @p2 s14  }
0x24: {  	p0 =	slt.u32 s13, $0x2;
	s17 =	simm.s32 @p1 $0x0;
	p1 =	sgt.s32 s20, $0xFFF  }
0x25: {  	s19 =	simm.s32 @!p0 $0x2;
	s20 =	smov.u32 @p1 s2;
	p1 =	sne.s32 s13, s7  }
.Ltmp1:
0x26: {  	_ =	swait.ge @!p0 [sflag:s19], $0x4000;
	(pc) =	sbr.rel @!p1 .LBB1_6-.Ltmp1, $4  }
0x27: {  	s15 =	smov.u32 s11;
	[sflag:s19] =	ssyncset.done @!p0 $0x0  }
0x28: {  	s16 =	smov.u32 s12;
	s9 =	sadd.s32 $0x4000, s9;
	[sflag:s19] =	ssyncadd.s32 @!p0 $0xFFFFC000  }
0x29: {  	s18 =	simm.s32 @p2 $0x0;
	s14 =	smov.u32 s10;
	s10 =	smov.u32 s17  }
0x2a: {  	s11 =	smov.u32 s18;
	s13 =	sadd.s32 $0x1, s13;
	s12 =	smov.u32 s20  }
.LBB1_1:
0x2b: {  	p0 =	sge.u32 s13, s5  }
0x2c: {  	s17 =	sshll.u32 @!p0 s11, $0xA  }
0x2d: {  	s18 =	sshll.u32 @!p0 s10, $0x3;
	s17 =	sand.u32 @!p0 $0xFFFFE000, s17  }
0x2e: {  	s17 =	sadd.s32 @!p0 s17, s18  }
0x2f: {  	s17 =	sshrl.u32 @!p0 s17, $0xA  }
0x30: {  	s18 =	smulhi.u32 @!p0 $0x4924925, s17  }
0x31: {  	s19 =	sshll.u32 @!p0 s11, $0x7;
	s21 =	smul.u32 @!p0 $0x1C00, s12  }
0x32: {  	s20 =	sand.u32 @!p0 $0x78, s10;
	s19 =	sand.u32 @!p0 $0x380, s19;
	s18 =	smul.u32 @!p0 $0x38, s18  }
0x33: {  	s31 =	sadd.s32 $0xFFFFFFFF, s13;
	s19 =	sor.u32 @!p0 s20, s19;
	s20 =	sadd.s32 @!p0 s6, s21  }
0x34: {  	s19 =	sshrl.u32 @!p0 s19, $0x3;
	s17 =	ssub.s32 @!p0 s17, s18;
	s18 =	sxor.u32 @!p0 $0xFFFFFFFF, s13  }
0x35: {  	s19 =	sadd.s32 @!p0 s19, s20;
	s20 =	sand.u32 @!p0 $0x7, s10;
	s18 =	sshll.u32 @!p0 s18, $0xE  }
0x36: {  	s20 =	sshll.u32 @!p0 s20, $0x12;
	s17 =	sshll.u32 @!p0 s17, $0x7;
	s18 =	sand.u32 @!p0 $0x4000, s18  }
0x37: {  	s17 =	sadd.s32 @!p0 s17, s19;
	s19 =	sor.u32 @!p0 $0x80, s20;
	s20 =	simm.s32 @!p0 $0xE000  }
0x38: {  	[tilespmem:s18], [sflag:$0x1] =	stream.strided.gather @!p0 [hbm4b:s17+s19], $0x4000, s20, s19, $0x38;
	[tilespmem:$0x10000] =	vst v63  }
0x39: {  	p0 =	sge.u32 s31, s5  }
.Ltmp2:
0x3a: {  	_ = 	snop;
	(pc) =	sbr.rel @p0 .LBB1_5-.Ltmp2, $1  }
0x3b: {  	_ =	sdelay $0x3  }
0x3c: {  	s17 =	sand.u32 $0x4000, s9  }
0x3d: {  	s18 =	sor.u32 $0x70, s17  }
0x3e: {  	v1 =	vmov s18;
	_ =	sdelay $0x1  }
0x3f: {  	_ =	swait.ge [sflag:s4], $0x4000  }
0x40: {  	[sflag:s4] =	ssyncset.done $0x0  }
0x41: {  	s19 =	simm.s32 $0x0;
	[sflag:s4] =	ssyncadd.s32 $0xFFFFC000  }
0x42: {  	s17 =	sor.u32 $0x8040, s17;
	v7 =	vld.idx.msk [tilespmem:v1+s19+$0x0 ss:$0x1], $0xffff  }
0x43: {  	v0 =	vmov s17;
	v8 =	vld.idx.msk [tilespmem:v1+s19+$0xFFFFFF90 ss:$0x1], $0xffff  }
0x44: {  	v6 =	vld.idx.msk [tilespmem:v1+s19+$0xFFFFFFA0 ss:$0x1], $0xffff  }
0x45: {  	v4 =	vld.idx.msk [tilespmem:v1+s19+$0xFFFFFFB0 ss:$0x1], $0xffff  }
0x46: {  	v2 =	vld.idx.msk [tilespmem:v1+s19+$0xFFFFFFC0 ss:$0x1], $0xffff  }
0x47: {  	s31 =	sshll.u32 s13, $0xE;
	v3 =	vld.idx.msk [tilespmem:v1+s19+$0xFFFFFFD0 ss:$0x1], $0xffff  }
0x48: {  	s17 =	sand.u32 $0x4000, s31;
	v5 =	vld.idx.msk [tilespmem:v1+s19+$0xFFFFFFE0 ss:$0x1], $0xffff;
	[tilespmem:v0+s19+$0x30 ss:$0x1] =	vst.idx.msk $0xffff, v7  }
0x49: {  	s20 =	simm.s32 $0x400;
	s18 =	simm.s32 $0x80;
	s17 =	sor.u32 $0x8000, s17;
	[tilespmem:v0+s19+$0xFFFFFFC0 ss:$0x1] =	vst.idx.msk $0xffff, v8;
	v7 =	vld.idx.msk [tilespmem:v1+s19+$0xFFFFFFF0 ss:$0x1], $0xffff  }
.LBB1_3:
0x4a: {  	p0 =	sne.s32 s20, $0xFE00;
	v8 =	vld.idx.msk [tilespmem:v1+s18+$0x0 ss:$0x1], $0xffff;
	[tilespmem:v0+s19+$0xFFFFFFD0 ss:$0x1] =	vst.idx.msk $0xffff, v6  }
0x4b: {  	v9 =	vld.idx.msk [tilespmem:v1+s18+$0xFFFFFF90 ss:$0x1], $0xffff;
	[tilespmem:v0+s19+$0xFFFFFFE0 ss:$0x1] =	vst.idx.msk $0xffff, v4  }
0x4c: {  	v6 =	vld.idx.msk [tilespmem:v1+s18+$0xFFFFFFA0 ss:$0x1], $0xffff;
	[tilespmem:v0+s19+$0xFFFFFFF0 ss:$0x1] =	vst.idx.msk $0xffff, v2  }
.Ltmp3:
0x4d: {  	v4 =	vld.idx.msk [tilespmem:v1+s18+$0xFFFFFFB0 ss:$0x1], $0xffff;
	[tilespmem:v0+s19+$0x0 ss:$0x1] =	vst.idx.msk $0xffff, v3;
	(pc) =	sbr.rel @p0 .LBB1_3-.Ltmp3, $4  }
0x4e: {  	v2 =	vld.idx.msk [tilespmem:v1+s18+$0xFFFFFFC0 ss:$0x1], $0xffff;
	[tilespmem:v0+s19+$0x10 ss:$0x1] =	vst.idx.msk $0xffff, v5  }
0x4f: {  	v3 =	vld.idx.msk [tilespmem:v1+s18+$0xFFFFFFD0 ss:$0x1], $0xffff;
	[tilespmem:v0+s19+$0x20 ss:$0x1] =	vst.idx.msk $0xffff, v7;
	s19 =	smov.u32 s18  }
0x50: {  	v5 =	vld.idx.msk [tilespmem:v1+s19+$0xFFFFFFE0 ss:$0x1], $0xffff;
	[tilespmem:v0+s19+$0x30 ss:$0x1] =	vst.idx.msk $0xffff, v8  }
0x51: {  	s18 =	sshra.s32 s20, $0x2;
	s20 =	sadd.s32 $0x200, s20;
	[tilespmem:v0+s19+$0xFFFFFFC0 ss:$0x1] =	vst.idx.msk $0xffff, v9;
	v7 =	vld.idx.msk [tilespmem:v1+s19+$0xFFFFFFF0 ss:$0x1], $0xffff  }
.Ltmp4:
0x52: {  	_ = 	snop;
	(pc) =	sbr.rel .LBB1_4-.Ltmp4, $1  }
0x53: {  	_ =	sdelay $0x3  }
.LBB1_6:
0x54: {  	_ =	sfence.sel $0x180000  }
0x55: {  	s2 =	simm.s32 $0x1;
	[bflag:$0x0] =	sbarrier.arrive $0xFFFF  }
0x56: {  	s31 =	simm.s32 $0x2;
	[sflag:s2] =	ssyncpa.u1 $0x1  }
0x57: {  	[sflag:s31] =	ssyncpa.u1 $0x1  }
0x58: {  	p0 =	sne.s32 s0, $0x0;
	_ =	strace $0x9000004A  }
0x59: {  	s0 =	sadd.s32 @!p0 $0x100000, s1;
	[bflag:$0x2] =	sbarrier.arrive $0xFFFF  }
0x5a: {  	[sflag:s0] =	ssyncadd.tile.s32 @!p0 $0x1;
	_ =	shalt  }
.Lfunc_end1:
_tile_overlayer_lowered:
.L_overlay_start_2:
0x5b: {  	(tag) =	ssettag $0x2  }
0x5c: {  	s0 =	rddreg [dreg:$0x0];
	s2 =	stileid.u32  }
0x5d: {  	s1 =	rddreg [dreg:$0x1];
	p0 =	sne.s32 s2, $0x0  }
0x5e: {  	s3 =	rddreg [dreg:$0x2];
	[bflag:$0x3] =	sbarrier.arrive $0xFFFF;
	s2 =	simm.s32 @!p0 $0x1C01  }
0x5f: {  	[timem:s3], [sflag:s2] =	dma.local @!p0 [hbm:s0], s1  }
0x60: {  	s0 =	simm.s32 @!p0 $0x1  }
0x61: {  	_ =	swait.ge @!p0 [sflag:s0], s1  }
0x62: {  	s1 =	ssub.s32 @!p0 $0x0, s1;
	[sflag:s0] =	ssyncset.done @!p0 $0x0  }
0x63: {  	[sflag:s0] =	ssyncadd.s32 @!p0 s1  }
0x64: {  	[bflag:$0x3] =	sbarrier.arrive $0xFFFF  }
0x65: {  	_ =	shalt  }

</sc_bundles>
